<compile_context>
chip_gen: v7x
topology: tpu7x:2x2x1
jax: 0.10.2.dev20260603
libtpu: 0.0.44.dev20260713+nightly
codegen_flags: <defaults>
</compile_context>

<pallas_src>
import functools

import jax
import jax.numpy as jnp
from jax import lax
from jax.experimental import pallas as pl
from jax.experimental.pallas import tpu as pltpu
from jax.experimental.pallas import tpu_sc as plsc

VOCAB = 100000
POS = 1024
DIM = 128
B = 4096
S = 200
N = B * S
NC = 2
NS = 16
NW = NC * NS
RPW = N // NW
SUB = 128
NCH = RPW // SUB
LANES = 16
NSLOT = 4


def _sc_body(char_hbm, pad_hbm, emb_hbm, pos_hbm, padtab_hbm, out_hbm,
             idx_e, idx_c, rows_e, pos_v, pad_v, combo_sh, *sems):
    assert len(sems) == 2 + 3 * NSLOT
    sem_ie = sems[0]
    sem_ic = sems[1]
    sem_ge = sems[2 + 0 * NSLOT:2 + 1 * NSLOT]
    sem_gc = sems[2 + 1 * NSLOT:2 + 2 * NSLOT]
    sem_s = sems[2 + 2 * NSLOT:2 + 3 * NSLOT]

    wid = lax.axis_index("s") * NC + lax.axis_index("c")
    base = wid * RPW
    lane = lax.iota(jnp.int32, LANES)

    def fix_idx(i):
        off = base + i * SUB
        loc = i * SUB

        def fix(k, c):
            sl = pl.ds(loc + k * LANES, LANES)
            s_v = lax.rem(off + k * LANES + lane, S)
            idx_c[sl] = idx_c[sl] * S + s_v
            return c

        lax.fori_loop(0, SUB // LANES, fix, 0)

    def fire_ge(i, s):
        pltpu.async_copy(emb_hbm.at[idx_e.at[pl.ds(i * SUB, SUB)]],
                         rows_e.at[s], sem_ge[s])

    def wait_ge(i, s):
        pltpu.make_async_copy(emb_hbm.at[idx_e.at[pl.ds(i * SUB, SUB)]],
                              rows_e.at[s], sem_ge[s]).wait()

    def fire_gc(i, s):
        pltpu.async_copy(combo_sh.at[idx_c.at[pl.ds(i * SUB, SUB)]],
                         rows_e.at[s], sem_gc[s], add=True)

    def wait_gc(i, s):
        pltpu.make_async_copy(combo_sh.at[idx_c.at[pl.ds(i * SUB, SUB)]],
                              rows_e.at[s], sem_gc[s]).wait()

    def fire_scatter(i, s):
        off = base + i * SUB
        pltpu.async_copy(rows_e.at[s], out_hbm.at[pl.ds(off, SUB)], sem_s[s])

    def wait_scatter(i, s):
        off = base + i * SUB
        pltpu.make_async_copy(rows_e.at[s], out_hbm.at[pl.ds(off, SUB)],
                              sem_s[s]).wait()

    idx_e_cp = pltpu.async_copy(char_hbm.at[pl.ds(base, RPW)], idx_e, sem_ie)
    idx_c_cp = pltpu.async_copy(pad_hbm.at[pl.ds(base, RPW)], idx_c, sem_ic)

    stage_rows = 40
    stage_start = lax.axis_index("s") * stage_rows
    stage_start = jnp.minimum(stage_start, 3 * S - stage_rows)
    p0 = stage_start // S
    s0 = stage_start - p0 * S
    pltpu.sync_copy(pos_hbm.at[pl.ds(s0, stage_rows)], pos_v)
    pltpu.sync_copy(padtab_hbm, pad_v)

    def combo_row(r, c):
        for d in range(DIM // LANES):
            sl = pl.ds(d * LANES, LANES)
            rows_e[0, r, sl] = pos_v[r, sl] + pad_v[p0, sl]
        return c

    lax.fori_loop(0, stage_rows, combo_row, 0)
    pltpu.sync_copy(rows_e.at[0, pl.ds(0, stage_rows)],
                    combo_sh.at[pl.ds(stage_start, stage_rows)])

    plsc.subcore_barrier()

    idx_e_cp.wait()
    idx_c_cp.wait()

    fix_idx(0)
    fire_ge(0, 0)

    def body(t, carry):
        for j in range(NSLOT):
            i = NSLOT * t + j
            s_0 = j
            s_c = (j - 1) % NSLOT
            s_g = (j + 1) % NSLOT

            @pl.when(jnp.logical_and(i >= 1, i <= NCH))
            def _():
                wait_gc(i - 1, s_c)
                fire_scatter(i - 1, s_c)

            @pl.when(jnp.logical_and(i >= NSLOT - 1, i <= NCH + NSLOT - 2))
            def _():
                wait_scatter(i + 1 - NSLOT, s_g)

            @pl.when(i <= NCH - 2)
            def _():
                fix_idx(i + 1)
                fire_ge(i + 1, s_g)

            @pl.when(i <= NCH - 1)
            def _():
                wait_ge(i, s_0)
                fire_gc(i, s_0)

        return carry

    n_iter = (NCH + NSLOT + NSLOT - 1) // NSLOT
    lax.fori_loop(0, n_iter, body, 0)


_sc_lookup = functools.partial(
    pl.kernel,
    mesh=plsc.VectorSubcoreMesh(core_axis_name="c", subcore_axis_name="s"),
    out_type=jax.ShapeDtypeStruct((N, DIM), jnp.float32),
    scratch_types=[
        pltpu.VMEM((RPW,), jnp.int32),
        pltpu.VMEM((RPW,), jnp.int32),
        pltpu.VMEM((NSLOT, SUB, DIM), jnp.float32),
        pltpu.VMEM((40, DIM), jnp.float32),
        pltpu.VMEM((3, DIM), jnp.float32),
        pltpu.VMEM_SHARED((3 * S, DIM), jnp.float32),
    ] + [pltpu.SemaphoreType.DMA] * (2 + 3 * NSLOT),
)(_sc_body)


@jax.jit
def kernel(char_ids, pad_ids, embedding, pos_embedding, padding_embedding):
    char_flat = char_ids.reshape(N).astype(jnp.int32)
    pad_flat = pad_ids.reshape(N).astype(jnp.int32)
    out = _sc_lookup(char_flat, pad_flat, embedding, pos_embedding,
                     padding_embedding)
    return out.reshape(B, S, DIM)

# --- scband reference (transcript-rebuilt; emitter-appended) ---
"""Pipeline reference for scband-mwmembedding-18056042512752 (READ-ONLY COPY).

The authoritative reference and input builder live on the scoring server;
editing this copy changes nothing except your own understanding.
"""

import jax, jax.numpy as jnp
import numpy as np

VOCAB = 100000
POS = 1024
DIM = 128
B = 4096
S = 200

def setup_inputs(seed: int = 0) -> dict:
    key = jax.random.key(seed)
    k1, k2, k3, k4, k5 = jax.random.split(key, 5)
    char_ids = jax.random.randint(k1, (B, S), 0, VOCAB, dtype=jnp.int64 if jax.config.jax_enable_x64 else jnp.int32)
    pad_ids = jax.random.randint(k2, (B, S), 0, 3, dtype=jnp.int64 if jax.config.jax_enable_x64 else jnp.int32)
    embedding = jax.random.normal(k3, (VOCAB, DIM), dtype=jnp.float32) * 0.02
    pos_embedding = jax.random.normal(k4, (POS, DIM), dtype=jnp.float32) * 0.02
    padding_embedding = jax.random.normal(k5, (3, DIM), dtype=jnp.float32) * 0.02
    return {
        "char_ids": char_ids,
        "pad_ids": pad_ids,
        "embedding": embedding,
        "pos_embedding": pos_embedding,
        "padding_embedding": padding_embedding,
    }

def reference(char_ids, pad_ids, embedding, pos_embedding, padding_embedding):
    seq_len = char_ids.shape[1]
    chars_embd = jnp.take(embedding, char_ids, axis=0)
    pad_embd = jnp.take(padding_embedding, pad_ids, axis=0)
    pos_embd = jnp.take(pos_embedding, jnp.arange(seq_len), axis=0)
    embd = chars_embd + pad_embd + pos_embd[None, :, :]
    # dropout p=0.0 -> identity
    return embd

if __name__ == "__main__":
    import jax
    _d = setup_inputs()
    print(jax.jit(kernel)(*tuple(_d.values())))

</pallas_src>

<mosaic_0001>
#map = affine_map<(d0, d1) -> (0)>
#map1 = affine_map<(d0, d1) -> (0, 0)>
module attributes {stable_mosaic.version = 14 : i64} {
  func.func @_sc_body(%arg0: i32, %arg1: i32, %arg2: memref<819200xi32, #tpu.memory_space<hbm>>, %arg3: memref<819200xi32, #tpu.memory_space<hbm>>, %arg4: memref<100000x128xf32, #tpu.memory_space<hbm>>, %arg5: memref<1024x128xf32, #tpu.memory_space<hbm>>, %arg6: memref<3x128xf32, #tpu.memory_space<hbm>>, %arg7: memref<819200x128xf32, #tpu.memory_space<hbm>>, %arg8: memref<25600xi32, #tpu.memory_space<vmem>>, %arg9: memref<25600xi32, #tpu.memory_space<vmem>>, %arg10: memref<4x128x128xf32, #tpu.memory_space<vmem>>, %arg11: memref<40x128xf32, #tpu.memory_space<vmem>>, %arg12: memref<3x128xf32, #tpu.memory_space<vmem>>, %arg13: memref<600x128xf32, #tpu.memory_space<vmem_shared>>, %arg14: memref<!tpu.dma_semaphore, #tpu.memory_space<semaphore_mem>>, %arg15: memref<!tpu.dma_semaphore, #tpu.memory_space<semaphore_mem>>, %arg16: memref<!tpu.dma_semaphore, #tpu.memory_space<semaphore_mem>>, %arg17: memref<!tpu.dma_semaphore, #tpu.memory_space<semaphore_mem>>, %arg18: memref<!tpu.dma_semaphore, #tpu.memory_space<semaphore_mem>>, %arg19: memref<!tpu.dma_semaphore, #tpu.memory_space<semaphore_mem>>, %arg20: memref<!tpu.dma_semaphore, #tpu.memory_space<semaphore_mem>>, %arg21: memref<!tpu.dma_semaphore, #tpu.memory_space<semaphore_mem>>, %arg22: memref<!tpu.dma_semaphore, #tpu.memory_space<semaphore_mem>>, %arg23: memref<!tpu.dma_semaphore, #tpu.memory_space<semaphore_mem>>, %arg24: memref<!tpu.dma_semaphore, #tpu.memory_space<semaphore_mem>>, %arg25: memref<!tpu.dma_semaphore, #tpu.memory_space<semaphore_mem>>, %arg26: memref<!tpu.dma_semaphore, #tpu.memory_space<semaphore_mem>>, %arg27: memref<!tpu.dma_semaphore, #tpu.memory_space<semaphore_mem>>) attributes {dimension_semantics = [#tpu.dimension_semantics<core_parallel>, #tpu.dimension_semantics<subcore_parallel>], iteration_bounds = array<i64: 2, 16>, scalar_prefetch = 0 : i64, scratch_operands = 20 : i64, tpu.core_type = #tpu.core_type<sc_vector_subcore>, window_params = [{transform_indices = #map}, {transform_indices = #map}, {transform_indices = #map1}, {transform_indices = #map1}, {transform_indices = #map1}, {transform_indices = #map1}]} {
    %mul3A = arith.constant 2 : i32
    %mul3A_0 = arith.muli %arg1, %mul3A : i32
    %add3A = arith.addi %mul3A_0, %arg0 : i32
    %mul3A_1 = arith.constant 25600 : i32
    %mul3A_2 = arith.muli %add3A, %mul3A_1 : i32
    %iota3A = tpu.iota {dimensions = array<i32: 0>} : vector<16xi32>
    %dma_start3A = tpu.memref_slice %arg2[%mul3A_2] : memref<819200xi32, #tpu.memory_space<hbm>> -> memref<25600xi32, #tpu.memory_space<hbm>>
    %dma_start3A_3 = tpu.memref_slice %arg2[%mul3A_2] : memref<819200xi32, #tpu.memory_space<hbm>> -> memref<25600xi32, #tpu.memory_space<hbm>>
    tpu.enqueue_dma source(%dma_start3A_3 : memref<25600xi32, #tpu.memory_space<hbm>>) target(%arg8 : memref<25600xi32, #tpu.memory_space<vmem>>) target_semaphore(%arg14 : memref<!tpu.dma_semaphore, #tpu.memory_space<semaphore_mem>>)
    %dma_start3A_4 = tpu.memref_slice %arg3[%mul3A_2] : memref<819200xi32, #tpu.memory_space<hbm>> -> memref<25600xi32, #tpu.memory_space<hbm>>
    %dma_start3A_5 = tpu.memref_slice %arg3[%mul3A_2] : memref<819200xi32, #tpu.memory_space<hbm>> -> memref<25600xi32, #tpu.memory_space<hbm>>
    tpu.enqueue_dma source(%dma_start3A_5 : memref<25600xi32, #tpu.memory_space<hbm>>) target(%arg9 : memref<25600xi32, #tpu.memory_space<vmem>>) target_semaphore(%arg15 : memref<!tpu.dma_semaphore, #tpu.memory_space<semaphore_mem>>)
    %mul3A_6 = arith.constant 40 : i32
    %mul3A_7 = arith.muli %arg1, %mul3A_6 : i32
    %min3A = arith.constant 560 : i32
    %min3A_8 = arith.minsi %mul3A_7, %min3A : i32
    %jit3A = arith.constant 200 : i32
    %div3A = arith.divsi %min3A_8, %jit3A : i32
    %sign3A = arith.constant 0 : i32
    %sign3A_9 = arith.cmpi sgt, %min3A_8, %sign3A : i32
    %sign3A_10 = arith.extui %sign3A_9 : i1 to i32
    %sign3A_11 = arith.constant 0 : i32
    %sign3A_12 = arith.cmpi slt, %min3A_8, %sign3A_11 : i32
    %sign3A_13 = arith.extui %sign3A_12 : i1 to i32
    %sign3A_14 = arith.subi %sign3A_10, %sign3A_13 : i32
    %sign3A_15 = arith.constant 0 : i32
    %sign3A_16 = arith.cmpi sgt, %jit3A, %sign3A_15 : i32
    %sign3A_17 = arith.extui %sign3A_16 : i1 to i32
    %sign3A_18 = arith.constant 0 : i32
    %sign3A_19 = arith.cmpi slt, %jit3A, %sign3A_18 : i32
    %sign3A_20 = arith.extui %sign3A_19 : i1 to i32
    %sign3A_21 = arith.subi %sign3A_17, %sign3A_20 : i32
    %ne3A = arith.cmpi ne, %sign3A_14, %sign3A_21 : i32
    %rem3A = arith.remsi %min3A_8, %jit3A : i32
    %ne3A_22 = arith.constant 0 : i32
    %ne3A_23 = arith.cmpi ne, %rem3A, %ne3A_22 : i32
    %and3A = arith.andi %ne3A, %ne3A_23 : i1
    %sub3A = arith.constant 1 : i32
    %sub3A_24 = arith.subi %div3A, %sub3A : i32
    %select_n3A = arith.select %and3A, %sub3A_24, %div3A : i32
    %mul3A_25 = arith.constant 200 : i32
    %mul3A_26 = arith.muli %select_n3A, %mul3A_25 : i32
    %sub3A_27 = arith.subi %min3A_8, %mul3A_26 : i32
    "tpu.region"() ({
      %run_scoped3A_60 = tpu.sem_alloc : memref<!tpu.dma_semaphore, #tpu.memory_space<semaphore_mem>>
      %dma_start3A_61 = arith.constant 0 : i32
      %dma_start3A_62 = tpu.memref_slice %arg5[%sub3A_27, %dma_start3A_61] : memref<1024x128xf32, #tpu.memory_space<hbm>> -> memref<40x128xf32, #tpu.memory_space<hbm>>
      %dma_start3A_63 = arith.constant 0 : i32
      %dma_start3A_64 = tpu.memref_slice %arg5[%sub3A_27, %dma_start3A_63] : memref<1024x128xf32, #tpu.memory_space<hbm>> -> memref<40x128xf32, #tpu.memory_space<hbm>>
      tpu.enqueue_dma source(%dma_start3A_64 : memref<40x128xf32, #tpu.memory_space<hbm>>) target(%arg11 : memref<40x128xf32, #tpu.memory_space<vmem>>) target_semaphore(%run_scoped3A_60 : memref<!tpu.dma_semaphore, #tpu.memory_space<semaphore_mem>>)
      %dma_wait3A_65 = arith.constant 0 : i32
      %dma_wait3A_66 = tpu.memref_slice %arg5[%sub3A_27, %dma_wait3A_65] : memref<1024x128xf32, #tpu.memory_space<hbm>> -> memref<40x128xf32, #tpu.memory_space<hbm>>
      %dma_wait3A_67 = arith.constant 0 : i32
      %dma_wait3A_68 = tpu.memref_slice %arg5[%sub3A_27, %dma_wait3A_67] : memref<1024x128xf32, #tpu.memory_space<hbm>> -> memref<40x128xf32, #tpu.memory_space<hbm>>
      tpu.wait_dma2 semaphore(%run_scoped3A_60 : memref<!tpu.dma_semaphore, #tpu.memory_space<semaphore_mem>>) src(%dma_wait3A_68 : memref<40x128xf32, #tpu.memory_space<hbm>>) dst(%arg11 : memref<40x128xf32, #tpu.memory_space<vmem>>)
      tpu.yield
    }) : () -> ()
    "tpu.region"() ({
      %run_scoped3A_60 = tpu.sem_alloc : memref<!tpu.dma_semaphore, #tpu.memory_space<semaphore_mem>>
      tpu.enqueue_dma source(%arg6 : memref<3x128xf32, #tpu.memory_space<hbm>>) target(%arg12 : memref<3x128xf32, #tpu.memory_space<vmem>>) target_semaphore(%run_scoped3A_60 : memref<!tpu.dma_semaphore, #tpu.memory_space<semaphore_mem>>)
      tpu.wait_dma2 semaphore(%run_scoped3A_60 : memref<!tpu.dma_semaphore, #tpu.memory_space<semaphore_mem>>) src(%arg6 : memref<3x128xf32, #tpu.memory_space<hbm>>) dst(%arg12 : memref<3x128xf32, #tpu.memory_space<vmem>>)
      tpu.yield
    }) : () -> ()
    %scan3A = arith.constant 0 : i32
    %scan3A_28 = arith.constant 0 : i32
    %scan3A_29 = arith.constant 40 : i32
    %scan3A_30 = arith.addi %scan3A_28, %scan3A_29 : i32
    %scan3A_31 = arith.constant 1 : i32
    scf.for %scan3A_60 = %scan3A_28 to %scan3A_30 step %scan3A_31  : i32 {
      %get3A = arith.index_cast %scan3A_60 : i32 to index
      %get3A_61 = arith.constant 0 : index
      %get3A_62 = tpu.vector_load %arg11[%get3A, %get3A_61] {strides = array<i32>} : memref<40x128xf32, #tpu.memory_space<vmem>>, vector<1x16xf32>,
      %get3A_63 = vector.shape_cast %get3A_62 : vector<1x16xf32> to vector<16xf32>
      %get3A_64 = arith.index_cast %select_n3A : i32 to index
      %get3A_65 = arith.constant 0 : index
      %get3A_66 = tpu.vector_load %arg12[%get3A_64, %get3A_65] {strides = array<i32>} : memref<3x128xf32, #tpu.memory_space<vmem>>, vector<1x16xf32>,
      %get3A_67 = vector.shape_cast %get3A_66 : vector<1x16xf32> to vector<16xf32>
      %add3A_68 = arith.addf %get3A_63, %get3A_67 : vector<16xf32>
      %swap3A = arith.constant 0 : i32
      %swap3A_69 = arith.index_cast %swap3A : i32 to index
      %swap3A_70 = arith.index_cast %scan3A_60 : i32 to index
      %swap3A_71 = arith.constant 0 : index
      %swap3A_72 = tpu.vector_load %arg10[%swap3A_69, %swap3A_70, %swap3A_71] {strides = array<i32>} : memref<4x128x128xf32, #tpu.memory_space<vmem>>, vector<1x1x16xf32>,
      %swap3A_73 = vector.shape_cast %swap3A_72 : vector<1x1x16xf32> to vector<16xf32>
      %swap3A_74 = vector.shape_cast %add3A_68 : vector<16xf32> to vector<1x1x16xf32>
      tpu.vector_store %arg10[%swap3A_69, %swap3A_70, %swap3A_71], %swap3A_74 {strides = array<i32>} : memref<4x128x128xf32, #tpu.memory_space<vmem>>, vector<1x1x16xf32>,
      %get3A_75 = arith.index_cast %scan3A_60 : i32 to index
      %get3A_76 = arith.constant 16 : index
      %get3A_77 = tpu.vector_load %arg11[%get3A_75, %get3A_76] {strides = array<i32>} : memref<40x128xf32, #tpu.memory_space<vmem>>, vector<1x16xf32>,
      %get3A_78 = vector.shape_cast %get3A_77 : vector<1x16xf32> to vector<16xf32>
      %get3A_79 = arith.index_cast %select_n3A : i32 to index
      %get3A_80 = arith.constant 16 : index
      %get3A_81 = tpu.vector_load %arg12[%get3A_79, %get3A_80] {strides = array<i32>} : memref<3x128xf32, #tpu.memory_space<vmem>>, vector<1x16xf32>,
      %get3A_82 = vector.shape_cast %get3A_81 : vector<1x16xf32> to vector<16xf32>
      %add3A_83 = arith.addf %get3A_78, %get3A_82 : vector<16xf32>
      %swap3A_84 = arith.constant 0 : i32
      %swap3A_85 = arith.index_cast %swap3A_84 : i32 to index
      %swap3A_86 = arith.index_cast %scan3A_60 : i32 to index
      %swap3A_87 = arith.constant 16 : index
      %swap3A_88 = tpu.vector_load %arg10[%swap3A_85, %swap3A_86, %swap3A_87] {strides = array<i32>} : memref<4x128x128xf32, #tpu.memory_space<vmem>>, vector<1x1x16xf32>,
      %swap3A_89 = vector.shape_cast %swap3A_88 : vector<1x1x16xf32> to vector<16xf32>
      %swap3A_90 = vector.shape_cast %add3A_83 : vector<16xf32> to vector<1x1x16xf32>
      tpu.vector_store %arg10[%swap3A_85, %swap3A_86, %swap3A_87], %swap3A_90 {strides = array<i32>} : memref<4x128x128xf32, #tpu.memory_space<vmem>>, vector<1x1x16xf32>,
      %get3A_91 = arith.index_cast %scan3A_60 : i32 to index
      %get3A_92 = arith.constant 32 : index
      %get3A_93 = tpu.vector_load %arg11[%get3A_91, %get3A_92] {strides = array<i32>} : memref<40x128xf32, #tpu.memory_space<vmem>>, vector<1x16xf32>,
      %get3A_94 = vector.shape_cast %get3A_93 : vector<1x16xf32> to vector<16xf32>
      %get3A_95 = arith.index_cast %select_n3A : i32 to index
      %get3A_96 = arith.constant 32 : index
      %get3A_97 = tpu.vector_load %arg12[%get3A_95, %get3A_96] {strides = array<i32>} : memref<3x128xf32, #tpu.memory_space<vmem>>, vector<1x16xf32>,
      %get3A_98 = vector.shape_cast %get3A_97 : vector<1x16xf32> to vector<16xf32>
      %add3A_99 = arith.addf %get3A_94, %get3A_98 : vector<16xf32>
      %swap3A_100 = arith.constant 0 : i32
      %swap3A_101 = arith.index_cast %swap3A_100 : i32 to index
      %swap3A_102 = arith.index_cast %scan3A_60 : i32 to index
      %swap3A_103 = arith.constant 32 : index
      %swap3A_104 = tpu.vector_load %arg10[%swap3A_101, %swap3A_102, %swap3A_103] {strides = array<i32>} : memref<4x128x128xf32, #tpu.memory_space<vmem>>, vector<1x1x16xf32>,
      %swap3A_105 = vector.shape_cast %swap3A_104 : vector<1x1x16xf32> to vector<16xf32>
      %swap3A_106 = vector.shape_cast %add3A_99 : vector<16xf32> to vector<1x1x16xf32>
      tpu.vector_store %arg10[%swap3A_101, %swap3A_102, %swap3A_103], %swap3A_106 {strides = array<i32>} : memref<4x128x128xf32, #tpu.memory_space<vmem>>, vector<1x1x16xf32>,
      %get3A_107 = arith.index_cast %scan3A_60 : i32 to index
      %get3A_108 = arith.constant 48 : index
      %get3A_109 = tpu.vector_load %arg11[%get3A_107, %get3A_108] {strides = array<i32>} : memref<40x128xf32, #tpu.memory_space<vmem>>, vector<1x16xf32>,
      %get3A_110 = vector.shape_cast %get3A_109 : vector<1x16xf32> to vector<16xf32>
      %get3A_111 = arith.index_cast %select_n3A : i32 to index
      %get3A_112 = arith.constant 48 : index
      %get3A_113 = tpu.vector_load %arg12[%get3A_111, %get3A_112] {strides = array<i32>} : memref<3x128xf32, #tpu.memory_space<vmem>>, vector<1x16xf32>,
      %get3A_114 = vector.shape_cast %get3A_113 : vector<1x16xf32> to vector<16xf32>
      %add3A_115 = arith.addf %get3A_110, %get3A_114 : vector<16xf32>
      %swap3A_116 = arith.constant 0 : i32
      %swap3A_117 = arith.index_cast %swap3A_116 : i32 to index
      %swap3A_118 = arith.index_cast %scan3A_60 : i32 to index
      %swap3A_119 = arith.constant 48 : index
      %swap3A_120 = tpu.vector_load %arg10[%swap3A_117, %swap3A_118, %swap3A_119] {strides = array<i32>} : memref<4x128x128xf32, #tpu.memory_space<vmem>>, vector<1x1x16xf32>,
      %swap3A_121 = vector.shape_cast %swap3A_120 : vector<1x1x16xf32> to vector<16xf32>
      %swap3A_122 = vector.shape_cast %add3A_115 : vector<16xf32> to vector<1x1x16xf32>
      tpu.vector_store %arg10[%swap3A_117, %swap3A_118, %swap3A_119], %swap3A_122 {strides = array<i32>} : memref<4x128x128xf32, #tpu.memory_space<vmem>>, vector<1x1x16xf32>,
      %get3A_123 = arith.index_cast %scan3A_60 : i32 to index
      %get3A_124 = arith.constant 64 : index
      %get3A_125 = tpu.vector_load %arg11[%get3A_123, %get3A_124] {strides = array<i32>} : memref<40x128xf32, #tpu.memory_space<vmem>>, vector<1x16xf32>,
      %get3A_126 = vector.shape_cast %get3A_125 : vector<1x16xf32> to vector<16xf32>
      %get3A_127 = arith.index_cast %select_n3A : i32 to index
      %get3A_128 = arith.constant 64 : index
      %get3A_129 = tpu.vector_load %arg12[%get3A_127, %get3A_128] {strides = array<i32>} : memref<3x128xf32, #tpu.memory_space<vmem>>, vector<1x16xf32>,
      %get3A_130 = vector.shape_cast %get3A_129 : vector<1x16xf32> to vector<16xf32>
      %add3A_131 = arith.addf %get3A_126, %get3A_130 : vector<16xf32>
      %swap3A_132 = arith.constant 0 : i32
      %swap3A_133 = arith.index_cast %swap3A_132 : i32 to index
      %swap3A_134 = arith.index_cast %scan3A_60 : i32 to index
      %swap3A_135 = arith.constant 64 : index
      %swap3A_136 = tpu.vector_load %arg10[%swap3A_133, %swap3A_134, %swap3A_135] {strides = array<i32>} : memref<4x128x128xf32, #tpu.memory_space<vmem>>, vector<1x1x16xf32>,
      %swap3A_137 = vector.shape_cast %swap3A_136 : vector<1x1x16xf32> to vector<16xf32>
      %swap3A_138 = vector.shape_cast %add3A_131 : vector<16xf32> to vector<1x1x16xf32>
      tpu.vector_store %arg10[%swap3A_133, %swap3A_134, %swap3A_135], %swap3A_138 {strides = array<i32>} : memref<4x128x128xf32, #tpu.memory_space<vmem>>, vector<1x1x16xf32>,
      %get3A_139 = arith.index_cast %scan3A_60 : i32 to index
      %get3A_140 = arith.constant 80 : index
      %get3A_141 = tpu.vector_load %arg11[%get3A_139, %get3A_140] {strides = array<i32>} : memref<40x128xf32, #tpu.memory_space<vmem>>, vector<1x16xf32>,
      %get3A_142 = vector.shape_cast %get3A_141 : vector<1x16xf32> to vector<16xf32>
      %get3A_143 = arith.index_cast %select_n3A : i32 to index
      %get3A_144 = arith.constant 80 : index
      %get3A_145 = tpu.vector_load %arg12[%get3A_143, %get3A_144] {strides = array<i32>} : memref<3x128xf32, #tpu.memory_space<vmem>>, vector<1x16xf32>,
      %get3A_146 = vector.shape_cast %get3A_145 : vector<1x16xf32> to vector<16xf32>
      %add3A_147 = arith.addf %get3A_142, %get3A_146 : vector<16xf32>
      %swap3A_148 = arith.constant 0 : i32
      %swap3A_149 = arith.index_cast %swap3A_148 : i32 to index
      %swap3A_150 = arith.index_cast %scan3A_60 : i32 to index
      %swap3A_151 = arith.constant 80 : index
      %swap3A_152 = tpu.vector_load %arg10[%swap3A_149, %swap3A_150, %swap3A_151] {strides = array<i32>} : memref<4x128x128xf32, #tpu.memory_space<vmem>>, vector<1x1x16xf32>,
      %swap3A_153 = vector.shape_cast %swap3A_152 : vector<1x1x16xf32> to vector<16xf32>
      %swap3A_154 = vector.shape_cast %add3A_147 : vector<16xf32> to vector<1x1x16xf32>
      tpu.vector_store %arg10[%swap3A_149, %swap3A_150, %swap3A_151], %swap3A_154 {strides = array<i32>} : memref<4x128x128xf32, #tpu.memory_space<vmem>>, vector<1x1x16xf32>,
      %get3A_155 = arith.index_cast %scan3A_60 : i32 to index
      %get3A_156 = arith.constant 96 : index
      %get3A_157 = tpu.vector_load %arg11[%get3A_155, %get3A_156] {strides = array<i32>} : memref<40x128xf32, #tpu.memory_space<vmem>>, vector<1x16xf32>,
      %get3A_158 = vector.shape_cast %get3A_157 : vector<1x16xf32> to vector<16xf32>
      %get3A_159 = arith.index_cast %select_n3A : i32 to index
      %get3A_160 = arith.constant 96 : index
      %get3A_161 = tpu.vector_load %arg12[%get3A_159, %get3A_160] {strides = array<i32>} : memref<3x128xf32, #tpu.memory_space<vmem>>, vector<1x16xf32>,
      %get3A_162 = vector.shape_cast %get3A_161 : vector<1x16xf32> to vector<16xf32>
      %add3A_163 = arith.addf %get3A_158, %get3A_162 : vector<16xf32>
      %swap3A_164 = arith.constant 0 : i32
      %swap3A_165 = arith.index_cast %swap3A_164 : i32 to index
      %swap3A_166 = arith.index_cast %scan3A_60 : i32 to index
      %swap3A_167 = arith.constant 96 : index
      %swap3A_168 = tpu.vector_load %arg10[%swap3A_165, %swap3A_166, %swap3A_167] {strides = array<i32>} : memref<4x128x128xf32, #tpu.memory_space<vmem>>, vector<1x1x16xf32>,
      %swap3A_169 = vector.shape_cast %swap3A_168 : vector<1x1x16xf32> to vector<16xf32>
      %swap3A_170 = vector.shape_cast %add3A_163 : vector<16xf32> to vector<1x1x16xf32>
      tpu.vector_store %arg10[%swap3A_165, %swap3A_166, %swap3A_167], %swap3A_170 {strides = array<i32>} : memref<4x128x128xf32, #tpu.memory_space<vmem>>, vector<1x1x16xf32>,
      %get3A_171 = arith.index_cast %scan3A_60 : i32 to index
      %get3A_172 = arith.constant 112 : index
      %get3A_173 = tpu.vector_load %arg11[%get3A_171, %get3A_172] {strides = array<i32>} : memref<40x128xf32, #tpu.memory_space<vmem>>, vector<1x16xf32>,
      %get3A_174 = vector.shape_cast %get3A_173 : vector<1x16xf32> to vector<16xf32>
      %get3A_175 = arith.index_cast %select_n3A : i32 to index
      %get3A_176 = arith.constant 112 : index
      %get3A_177 = tpu.vector_load %arg12[%get3A_175, %get3A_176] {strides = array<i32>} : memref<3x128xf32, #tpu.memory_space<vmem>>, vector<1x16xf32>,
      %get3A_178 = vector.shape_cast %get3A_177 : vector<1x16xf32> to vector<16xf32>
      %add3A_179 = arith.addf %get3A_174, %get3A_178 : vector<16xf32>
      %swap3A_180 = arith.constant 0 : i32
      %swap3A_181 = arith.index_cast %swap3A_180 : i32 to index
      %swap3A_182 = arith.index_cast %scan3A_60 : i32 to index
      %swap3A_183 = arith.constant 112 : index
      %swap3A_184 = tpu.vector_load %arg10[%swap3A_181, %swap3A_182, %swap3A_183] {strides = array<i32>} : memref<4x128x128xf32, #tpu.memory_space<vmem>>, vector<1x1x16xf32>,
      %swap3A_185 = vector.shape_cast %swap3A_184 : vector<1x1x16xf32> to vector<16xf32>
      %swap3A_186 = vector.shape_cast %add3A_179 : vector<16xf32> to vector<1x1x16xf32>
      tpu.vector_store %arg10[%swap3A_181, %swap3A_182, %swap3A_183], %swap3A_186 {strides = array<i32>} : memref<4x128x128xf32, #tpu.memory_space<vmem>>, vector<1x1x16xf32>,
    }
    %scan3A_32 = arith.constant 40 : i32
    %run_scoped3A = arith.constant 0 : i32
    "tpu.region"() ({
      %run_scoped3A_60 = tpu.sem_alloc : memref<!tpu.dma_semaphore, #tpu.memory_space<semaphore_mem>>
      %dma_start3A_61 = arith.constant 0 : i32
      %dma_start3A_62 = arith.constant 0 : i32
      %dma_start3A_63 = tpu.memref_slice %arg10[%run_scoped3A, %dma_start3A_61, %dma_start3A_62] : memref<4x128x128xf32, #tpu.memory_space<vmem>> -> memref<1x40x128xf32, #tpu.memory_space<vmem>>
      %dma_start3A_64 = tpu.memref_squeeze %dma_start3A_63 : memref<1x40x128xf32, #tpu.memory_space<vmem>> -> memref<40x128xf32, #tpu.memory_space<vmem>>
      %dma_start3A_65 = arith.constant 0 : i32
      %dma_start3A_66 = tpu.memref_slice %arg13[%min3A_8, %dma_start3A_65] : memref<600x128xf32, #tpu.memory_space<vmem_shared>> -> memref<40x128xf32, #tpu.memory_space<vmem_shared>>
      %dma_start3A_67 = arith.constant 0 : i32
      %dma_start3A_68 = tpu.memref_slice %arg13[%min3A_8, %dma_start3A_67] : memref<600x128xf32, #tpu.memory_space<vmem_shared>> -> memref<40x128xf32, #tpu.memory_space<vmem_shared>>
      %dma_start3A_69 = arith.constant 0 : i32
      %dma_start3A_70 = arith.constant 0 : i32
      %dma_start3A_71 = tpu.memref_slice %arg10[%run_scoped3A, %dma_start3A_69, %dma_start3A_70] : memref<4x128x128xf32, #tpu.memory_space<vmem>> -> memref<1x40x128xf32, #tpu.memory_space<vmem>>
      %dma_start3A_72 = tpu.memref_squeeze %dma_start3A_71 : memref<1x40x128xf32, #tpu.memory_space<vmem>> -> memref<40x128xf32, #tpu.memory_space<vmem>>
      tpu.enqueue_dma source(%dma_start3A_72 : memref<40x128xf32, #tpu.memory_space<vmem>>) target(%dma_start3A_68 : memref<40x128xf32, #tpu.memory_space<vmem_shared>>) target_semaphore(%run_scoped3A_60 : memref<!tpu.dma_semaphore, #tpu.memory_space<semaphore_mem>>)
      %dma_wait3A_73 = arith.constant 0 : i32
      %dma_wait3A_74 = arith.constant 0 : i32
      %dma_wait3A_75 = tpu.memref_slice %arg10[%run_scoped3A, %dma_wait3A_73, %dma_wait3A_74] : memref<4x128x128xf32, #tpu.memory_space<vmem>> -> memref<1x40x128xf32, #tpu.memory_space<vmem>>
      %dma_wait3A_76 = tpu.memref_squeeze %dma_wait3A_75 : memref<1x40x128xf32, #tpu.memory_space<vmem>> -> memref<40x128xf32, #tpu.memory_space<vmem>>
      %dma_wait3A_77 = arith.constant 0 : i32
      %dma_wait3A_78 = tpu.memref_slice %arg13[%min3A_8, %dma_wait3A_77] : memref<600x128xf32, #tpu.memory_space<vmem_shared>> -> memref<40x128xf32, #tpu.memory_space<vmem_shared>>
      %dma_wait3A_79 = arith.constant 0 : i32
      %dma_wait3A_80 = tpu.memref_slice %arg13[%min3A_8, %dma_wait3A_79] : memref<600x128xf32, #tpu.memory_space<vmem_shared>> -> memref<40x128xf32, #tpu.memory_space<vmem_shared>>
      %dma_wait3A_81 = arith.constant 0 : i32
      %dma_wait3A_82 = arith.constant 0 : i32
      %dma_wait3A_83 = tpu.memref_slice %arg10[%run_scoped3A, %dma_wait3A_81, %dma_wait3A_82] : memref<4x128x128xf32, #tpu.memory_space<vmem>> -> memref<1x40x128xf32, #tpu.memory_space<vmem>>
      %dma_wait3A_84 = tpu.memref_squeeze %dma_wait3A_83 : memref<1x40x128xf32, #tpu.memory_space<vmem>> -> memref<40x128xf32, #tpu.memory_space<vmem>>
      tpu.wait_dma2 semaphore(%run_scoped3A_60 : memref<!tpu.dma_semaphore, #tpu.memory_space<semaphore_mem>>) src(%dma_wait3A_84 : memref<40x128xf32, #tpu.memory_space<vmem>>) dst(%dma_wait3A_80 : memref<40x128xf32, #tpu.memory_space<vmem_shared>>)
      tpu.yield
    }) : () -> ()
    %barrier3A = arith.constant 0 : index
    tpu.barrier barrier_id(%barrier3A)
    %dma_wait3A = tpu.memref_slice %arg2[%mul3A_2] : memref<819200xi32, #tpu.memory_space<hbm>> -> memref<25600xi32, #tpu.memory_space<hbm>>
    %dma_wait3A_33 = tpu.memref_slice %arg2[%mul3A_2] : memref<819200xi32, #tpu.memory_space<hbm>> -> memref<25600xi32, #tpu.memory_space<hbm>>
    tpu.wait_dma2 semaphore(%arg14 : memref<!tpu.dma_semaphore, #tpu.memory_space<semaphore_mem>>) src(%dma_wait3A_33 : memref<25600xi32, #tpu.memory_space<hbm>>) dst(%arg8 : memref<25600xi32, #tpu.memory_space<vmem>>)
    %dma_wait3A_34 = tpu.memref_slice %arg3[%mul3A_2] : memref<819200xi32, #tpu.memory_space<hbm>> -> memref<25600xi32, #tpu.memory_space<hbm>>
    %dma_wait3A_35 = tpu.memref_slice %arg3[%mul3A_2] : memref<819200xi32, #tpu.memory_space<hbm>> -> memref<25600xi32, #tpu.memory_space<hbm>>
    tpu.wait_dma2 semaphore(%arg15 : memref<!tpu.dma_semaphore, #tpu.memory_space<semaphore_mem>>) src(%dma_wait3A_35 : memref<25600xi32, #tpu.memory_space<hbm>>) dst(%arg9 : memref<25600xi32, #tpu.memory_space<vmem>>)
    %add3A_36 = arith.constant 0 : i32
    %add3A_37 = arith.addi %mul3A_2, %add3A_36 : i32
    %scan3A_38 = arith.constant 0 : i32
    %scan3A_39 = arith.constant 0 : i32
    %scan3A_40 = arith.constant 8 : i32
    %scan3A_41 = arith.addi %scan3A_39, %scan3A_40 : i32
    %scan3A_42 = arith.constant 1 : i32
    scf.for %scan3A_60 = %scan3A_39 to %scan3A_41 step %scan3A_42  : i32 {
      %mul3A_61 = arith.constant 16 : i32
      %mul3A_62 = arith.muli %scan3A_60, %mul3A_61 : i32
      %add3A_63 = arith.constant 0 : i32
      %add3A_64 = arith.addi %add3A_63, %mul3A_62 : i32
      %mul3A_65 = arith.constant 16 : i32
      %mul3A_66 = arith.muli %scan3A_60, %mul3A_65 : i32
      %add3A_67 = arith.addi %add3A_37, %mul3A_66 : i32
      %add3A_68 = vector.broadcast %add3A_67 : i32 to vector<16xi32>
      %add3A_69 = arith.addi %add3A_68, %iota3A : vector<16xi32>
      %rem3A_70 = arith.constant 200 : i32
      %rem3A_71 = vector.broadcast %rem3A_70 : i32 to vector<16xi32>
      %rem3A_72 = arith.remsi %add3A_69, %rem3A_71 : vector<16xi32>
      %get3A = arith.index_cast %add3A_64 : i32 to index
      %get3A_73 = tpu.vector_load %arg9[%get3A] {strides = array<i32>} : memref<25600xi32, #tpu.memory_space<vmem>>, vector<16xi32>,
      %get3A_74 = vector.shape_cast %get3A_73 : vector<16xi32> to vector<16xi32>
      %mul3A_75 = arith.constant 200 : i32
      %mul3A_76 = vector.broadcast %mul3A_75 : i32 to vector<16xi32>
      %mul3A_77 = arith.muli %get3A_74, %mul3A_76 : vector<16xi32>
      %add3A_78 = arith.addi %mul3A_77, %rem3A_72 : vector<16xi32>
      %swap3A = arith.index_cast %add3A_64 : i32 to index
      %swap3A_79 = tpu.vector_load %arg9[%swap3A] {strides = array<i32>} : memref<25600xi32, #tpu.memory_space<vmem>>, vector<16xi32>,
      %swap3A_80 = vector.shape_cast %swap3A_79 : vector<16xi32> to vector<16xi32>
      %swap3A_81 = vector.shape_cast %add3A_78 : vector<16xi32> to vector<16xi32>
      tpu.vector_store %arg9[%swap3A], %swap3A_81 {strides = array<i32>} : memref<25600xi32, #tpu.memory_space<vmem>>, vector<16xi32>,
    }
    %scan3A_43 = arith.constant 8 : i32
    %dma_start3A_44 = arith.constant 0 : i32
    %dma_start3A_45 = arith.constant 0 : i32
    %dma_start3A_46 = arith.constant 0 : i32
    %dma_start3A_47 = tpu.memref_slice %arg10[%dma_start3A_44, %dma_start3A_45, %dma_start3A_46] : memref<4x128x128xf32, #tpu.memory_space<vmem>> -> memref<1x128x128xf32, #tpu.memory_space<vmem>>
    %dma_start3A_48 = tpu.memref_squeeze %dma_start3A_47 : memref<1x128x128xf32, #tpu.memory_space<vmem>> -> memref<128x128xf32, #tpu.memory_space<vmem>>
    %dma_start3A_49 = arith.constant 0 : i32
    %dma_start3A_50 = tpu.memref_slice %arg8[%dma_start3A_49] : memref<25600xi32, #tpu.memory_space<vmem>> -> memref<128xi32, #tpu.memory_space<vmem>>
    %dma_start3A_51 = arith.constant 0 : i32
    %dma_start3A_52 = arith.constant 0 : i32
    %dma_start3A_53 = tpu.memref_slice %arg4[%dma_start3A_51, %dma_start3A_52] : memref<100000x128xf32, #tpu.memory_space<hbm>> -> memref<100000x128xf32, #tpu.memory_space<hbm>>
    tpu.enqueue_indirect_dma source(%dma_start3A_53 : memref<100000x128xf32, #tpu.memory_space<hbm>>) target(%dma_start3A_48 : memref<128x128xf32, #tpu.memory_space<vmem>>) offsets(%dma_start3A_50 : memref<128xi32, #tpu.memory_space<vmem>>) semaphore(%arg16 : memref<!tpu.dma_semaphore, #tpu.memory_space<semaphore_mem>>)
    %scan3A_54 = arith.constant 0 : i32
    %scan3A_55 = arith.constant 0 : i32
    %scan3A_56 = arith.constant 51 : i32
    %scan3A_57 = arith.addi %scan3A_55, %scan3A_56 : i32
    %scan3A_58 = arith.constant 1 : i32
    scf.for %scan3A_60 = %scan3A_55 to %scan3A_57 step %scan3A_58  : i32 {
      %mul3A_61 = arith.constant 4 : i32
      %mul3A_62 = arith.muli %mul3A_61, %scan3A_60 : i32
      %add3A_63 = arith.constant 0 : i32
      %add3A_64 = arith.addi %mul3A_62, %add3A_63 : i32
      %ge3A = arith.constant 1 : i32
      %ge3A_65 = arith.cmpi sge, %add3A_64, %ge3A : i32
      %le3A = arith.constant 200 : i32
      %le3A_66 = arith.cmpi sle, %add3A_64, %le3A : i32
      %and3A_67 = arith.andi %ge3A_65, %le3A_66 : i1
      %convert_element_type3A = arith.extui %and3A_67 : i1 to i32
      %cond3A = arith.constant 0 : i32
      %cond3A_68 = arith.cmpi ne, %convert_element_type3A, %cond3A : i32
      scf.if %cond3A_68 {
        %sub3A_177 = arith.constant 1 : i32
        %sub3A_178 = arith.subi %add3A_64, %sub3A_177 : i32
        %mul3A_179 = arith.constant 128 : i32
        %mul3A_180 = arith.muli %sub3A_178, %mul3A_179 : i32
        %dma_wait3A_181 = arith.constant 3 : i32
        %dma_wait3A_182 = arith.constant 0 : i32
        %dma_wait3A_183 = arith.constant 0 : i32
        %dma_wait3A_184 = tpu.memref_slice %arg10[%dma_wait3A_181, %dma_wait3A_182, %dma_wait3A_183] : memref<4x128x128xf32, #tpu.memory_space<vmem>> -> memref<1x128x128xf32, #tpu.memory_space<vmem>>
        %dma_wait3A_185 = tpu.memref_squeeze %dma_wait3A_184 : memref<1x128x128xf32, #tpu.memory_space<vmem>> -> memref<128x128xf32, #tpu.memory_space<vmem>>
        %dma_wait3A_186 = tpu.memref_slice %arg9[%mul3A_180] : memref<25600xi32, #tpu.memory_space<vmem>> -> memref<128xi32, #tpu.memory_space<vmem>>
        %dma_wait3A_187 = arith.constant 0 : i32
        %dma_wait3A_188 = arith.constant 0 : i32
        %dma_wait3A_189 = tpu.memref_slice %arg13[%dma_wait3A_187, %dma_wait3A_188] : memref<600x128xf32, #tpu.memory_space<vmem_shared>> -> memref<600x128xf32, #tpu.memory_space<vmem_shared>>
        tpu.wait_indirect_dma semaphore(%arg23 : memref<!tpu.dma_semaphore, #tpu.memory_space<semaphore_mem>>) src(%dma_wait3A_189 : memref<600x128xf32, #tpu.memory_space<vmem_shared>>) dst(%dma_wait3A_185 : memref<128x128xf32, #tpu.memory_space<vmem>>)
        %sub3A_190 = arith.constant 1 : i32
        %sub3A_191 = arith.subi %add3A_64, %sub3A_190 : i32
        %mul3A_192 = arith.constant 128 : i32
        %mul3A_193 = arith.muli %sub3A_191, %mul3A_192 : i32
        %add3A_194 = arith.addi %mul3A_2, %mul3A_193 : i32
        %dma_start3A_195 = arith.constant 3 : i32
        %dma_start3A_196 = arith.constant 0 : i32
        %dma_start3A_197 = arith.constant 0 : i32
        %dma_start3A_198 = tpu.memref_slice %arg10[%dma_start3A_195, %dma_start3A_196, %dma_start3A_197] : memref<4x128x128xf32, #tpu.memory_space<vmem>> -> memref<1x128x128xf32, #tpu.memory_space<vmem>>
        %dma_start3A_199 = tpu.memref_squeeze %dma_start3A_198 : memref<1x128x128xf32, #tpu.memory_space<vmem>> -> memref<128x128xf32, #tpu.memory_space<vmem>>
        %dma_start3A_200 = arith.constant 0 : i32
        %dma_start3A_201 = tpu.memref_slice %arg7[%add3A_194, %dma_start3A_200] : memref<819200x128xf32, #tpu.memory_space<hbm>> -> memref<128x128xf32, #tpu.memory_space<hbm>>
        %dma_start3A_202 = arith.constant 0 : i32
        %dma_start3A_203 = tpu.memref_slice %arg7[%add3A_194, %dma_start3A_202] : memref<819200x128xf32, #tpu.memory_space<hbm>> -> memref<128x128xf32, #tpu.memory_space<hbm>>
        %dma_start3A_204 = arith.constant 0 : i32
        %dma_start3A_205 = arith.constant 0 : i32
        %dma_start3A_206 = tpu.memref_slice %arg10[%dma_start3A_195, %dma_start3A_204, %dma_start3A_205] : memref<4x128x128xf32, #tpu.memory_space<vmem>> -> memref<1x128x128xf32, #tpu.memory_space<vmem>>
        %dma_start3A_207 = tpu.memref_squeeze %dma_start3A_206 : memref<1x128x128xf32, #tpu.memory_space<vmem>> -> memref<128x128xf32, #tpu.memory_space<vmem>>
        tpu.enqueue_dma source(%dma_start3A_207 : memref<128x128xf32, #tpu.memory_space<vmem>>) target(%dma_start3A_203 : memref<128x128xf32, #tpu.memory_space<hbm>>) target_semaphore(%arg27 : memref<!tpu.dma_semaphore, #tpu.memory_space<semaphore_mem>>)
      } else {
      }
      %ge3A_69 = arith.constant 3 : i32
      %ge3A_70 = arith.cmpi sge, %add3A_64, %ge3A_69 : i32
      %le3A_71 = arith.constant 202 : i32
      %le3A_72 = arith.cmpi sle, %add3A_64, %le3A_71 : i32
      %and3A_73 = arith.andi %ge3A_70, %le3A_72 : i1
      %convert_element_type3A_74 = arith.extui %and3A_73 : i1 to i32
      %cond3A_75 = arith.constant 0 : i32
      %cond3A_76 = arith.cmpi ne, %convert_element_type3A_74, %cond3A_75 : i32
      scf.if %cond3A_76 {
        %add3A_177 = arith.constant 1 : i32
        %add3A_178 = arith.addi %add3A_64, %add3A_177 : i32
        %sub3A_179 = arith.constant 4 : i32
        %sub3A_180 = arith.subi %add3A_178, %sub3A_179 : i32
        %mul3A_181 = arith.constant 128 : i32
        %mul3A_182 = arith.muli %sub3A_180, %mul3A_181 : i32
        %add3A_183 = arith.addi %mul3A_2, %mul3A_182 : i32
        %dma_wait3A_184 = arith.constant 1 : i32
        %dma_wait3A_185 = arith.constant 0 : i32
        %dma_wait3A_186 = arith.constant 0 : i32
        %dma_wait3A_187 = tpu.memref_slice %arg10[%dma_wait3A_184, %dma_wait3A_185, %dma_wait3A_186] : memref<4x128x128xf32, #tpu.memory_space<vmem>> -> memref<1x128x128xf32, #tpu.memory_space<vmem>>
        %dma_wait3A_188 = tpu.memref_squeeze %dma_wait3A_187 : memref<1x128x128xf32, #tpu.memory_space<vmem>> -> memref<128x128xf32, #tpu.memory_space<vmem>>
        %dma_wait3A_189 = arith.constant 0 : i32
        %dma_wait3A_190 = tpu.memref_slice %arg7[%add3A_183, %dma_wait3A_189] : memref<819200x128xf32, #tpu.memory_space<hbm>> -> memref<128x128xf32, #tpu.memory_space<hbm>>
        %dma_wait3A_191 = arith.constant 0 : i32
        %dma_wait3A_192 = tpu.memref_slice %arg7[%add3A_183, %dma_wait3A_191] : memref<819200x128xf32, #tpu.memory_space<hbm>> -> memref<128x128xf32, #tpu.memory_space<hbm>>
        %dma_wait3A_193 = arith.constant 0 : i32
        %dma_wait3A_194 = arith.constant 0 : i32
        %dma_wait3A_195 = tpu.memref_slice %arg10[%dma_wait3A_184, %dma_wait3A_193, %dma_wait3A_194] : memref<4x128x128xf32, #tpu.memory_space<vmem>> -> memref<1x128x128xf32, #tpu.memory_space<vmem>>
        %dma_wait3A_196 = tpu.memref_squeeze %dma_wait3A_195 : memref<1x128x128xf32, #tpu.memory_space<vmem>> -> memref<128x128xf32, #tpu.memory_space<vmem>>
        tpu.wait_dma2 semaphore(%arg25 : memref<!tpu.dma_semaphore, #tpu.memory_space<semaphore_mem>>) src(%dma_wait3A_196 : memref<128x128xf32, #tpu.memory_space<vmem>>) dst(%dma_wait3A_192 : memref<128x128xf32, #tpu.memory_space<hbm>>)
      } else {
      }
      %le3A_77 = arith.constant 198 : i32
      %le3A_78 = arith.cmpi sle, %add3A_64, %le3A_77 : i32
      %convert_element_type3A_79 = arith.extui %le3A_78 : i1 to i32
      %cond3A_80 = arith.constant 0 : i32
      %cond3A_81 = arith.cmpi ne, %convert_element_type3A_79, %cond3A_80 : i32
      scf.if %cond3A_81 {
        %add3A_177 = arith.constant 1 : i32
        %add3A_178 = arith.addi %add3A_64, %add3A_177 : i32
        %mul3A_179 = arith.constant 128 : i32
        %mul3A_180 = arith.muli %add3A_178, %mul3A_179 : i32
        %add3A_181 = arith.addi %mul3A_2, %mul3A_180 : i32
        %mul3A_182 = arith.constant 128 : i32
        %mul3A_183 = arith.muli %add3A_178, %mul3A_182 : i32
        %scan3A_184 = arith.constant 0 : i32
        %scan3A_185 = arith.constant 0 : i32
        %scan3A_186 = arith.constant 8 : i32
        %scan3A_187 = arith.addi %scan3A_185, %scan3A_186 : i32
        %scan3A_188 = arith.constant 1 : i32
        scf.for %scan3A_203 = %scan3A_185 to %scan3A_187 step %scan3A_188  : i32 {
          %mul3A_204 = arith.constant 16 : i32
          %mul3A_205 = arith.muli %scan3A_203, %mul3A_204 : i32
          %add3A_206 = arith.addi %mul3A_183, %mul3A_205 : i32
          %mul3A_207 = arith.constant 16 : i32
          %mul3A_208 = arith.muli %scan3A_203, %mul3A_207 : i32
          %add3A_209 = arith.addi %add3A_181, %mul3A_208 : i32
          %add3A_210 = vector.broadcast %add3A_209 : i32 to vector<16xi32>
          %add3A_211 = arith.addi %add3A_210, %iota3A : vector<16xi32>
          %rem3A_212 = arith.constant 200 : i32
          %rem3A_213 = vector.broadcast %rem3A_212 : i32 to vector<16xi32>
          %rem3A_214 = arith.remsi %add3A_211, %rem3A_213 : vector<16xi32>
          %get3A = arith.index_cast %add3A_206 : i32 to index
          %get3A_215 = tpu.vector_load %arg9[%get3A] {strides = array<i32>} : memref<25600xi32, #tpu.memory_space<vmem>>, vector<16xi32>,
          %get3A_216 = vector.shape_cast %get3A_215 : vector<16xi32> to vector<16xi32>
          %mul3A_217 = arith.constant 200 : i32
          %mul3A_218 = vector.broadcast %mul3A_217 : i32 to vector<16xi32>
          %mul3A_219 = arith.muli %get3A_216, %mul3A_218 : vector<16xi32>
          %add3A_220 = arith.addi %mul3A_219, %rem3A_214 : vector<16xi32>
          %swap3A = arith.index_cast %add3A_206 : i32 to index
          %swap3A_221 = tpu.vector_load %arg9[%swap3A] {strides = array<i32>} : memref<25600xi32, #tpu.memory_space<vmem>>, vector<16xi32>,
          %swap3A_222 = vector.shape_cast %swap3A_221 : vector<16xi32> to vector<16xi32>
          %swap3A_223 = vector.shape_cast %add3A_220 : vector<16xi32> to vector<16xi32>
          tpu.vector_store %arg9[%swap3A], %swap3A_223 {strides = array<i32>} : memref<25600xi32, #tpu.memory_space<vmem>>, vector<16xi32>,
        }
        %scan3A_189 = arith.constant 8 : i32
        %add3A_190 = arith.constant 1 : i32
        %add3A_191 = arith.addi %add3A_64, %add3A_190 : i32
        %mul3A_192 = arith.constant 128 : i32
        %mul3A_193 = arith.muli %add3A_191, %mul3A_192 : i32
        %dma_start3A_194 = arith.constant 1 : i32
        %dma_start3A_195 = arith.constant 0 : i32
        %dma_start3A_196 = arith.constant 0 : i32
        %dma_start3A_197 = tpu.memref_slice %arg10[%dma_start3A_194, %dma_start3A_195, %dma_start3A_196] : memref<4x128x128xf32, #tpu.memory_space<vmem>> -> memref<1x128x128xf32, #tpu.memory_space<vmem>>
        %dma_start3A_198 = tpu.memref_squeeze %dma_start3A_197 : memref<1x128x128xf32, #tpu.memory_space<vmem>> -> memref<128x128xf32, #tpu.memory_space<vmem>>
        %dma_start3A_199 = tpu.memref_slice %arg8[%mul3A_193] : memref<25600xi32, #tpu.memory_space<vmem>> -> memref<128xi32, #tpu.memory_space<vmem>>
        %dma_start3A_200 = arith.constant 0 : i32
        %dma_start3A_201 = arith.constant 0 : i32
        %dma_start3A_202 = tpu.memref_slice %arg4[%dma_start3A_200, %dma_start3A_201] : memref<100000x128xf32, #tpu.memory_space<hbm>> -> memref<100000x128xf32, #tpu.memory_space<hbm>>
        tpu.enqueue_indirect_dma source(%dma_start3A_202 : memref<100000x128xf32, #tpu.memory_space<hbm>>) target(%dma_start3A_198 : memref<128x128xf32, #tpu.memory_space<vmem>>) offsets(%dma_start3A_199 : memref<128xi32, #tpu.memory_space<vmem>>) semaphore(%arg17 : memref<!tpu.dma_semaphore, #tpu.memory_space<semaphore_mem>>)
      } else {
      }
      %le3A_82 = arith.constant 199 : i32
      %le3A_83 = arith.cmpi sle, %add3A_64, %le3A_82 : i32
      %convert_element_type3A_84 = arith.extui %le3A_83 : i1 to i32
      %cond3A_85 = arith.constant 0 : i32
      %cond3A_86 = arith.cmpi ne, %convert_element_type3A_84, %cond3A_85 : i32
      scf.if %cond3A_86 {
        %mul3A_177 = arith.constant 128 : i32
        %mul3A_178 = arith.muli %add3A_64, %mul3A_177 : i32
        %dma_wait3A_179 = arith.constant 0 : i32
        %dma_wait3A_180 = arith.constant 0 : i32
        %dma_wait3A_181 = arith.constant 0 : i32
        %dma_wait3A_182 = tpu.memref_slice %arg10[%dma_wait3A_179, %dma_wait3A_180, %dma_wait3A_181] : memref<4x128x128xf32, #tpu.memory_space<vmem>> -> memref<1x128x128xf32, #tpu.memory_space<vmem>>
        %dma_wait3A_183 = tpu.memref_squeeze %dma_wait3A_182 : memref<1x128x128xf32, #tpu.memory_space<vmem>> -> memref<128x128xf32, #tpu.memory_space<vmem>>
        %dma_wait3A_184 = tpu.memref_slice %arg8[%mul3A_178] : memref<25600xi32, #tpu.memory_space<vmem>> -> memref<128xi32, #tpu.memory_space<vmem>>
        %dma_wait3A_185 = arith.constant 0 : i32
        %dma_wait3A_186 = arith.constant 0 : i32
        %dma_wait3A_187 = tpu.memref_slice %arg4[%dma_wait3A_185, %dma_wait3A_186] : memref<100000x128xf32, #tpu.memory_space<hbm>> -> memref<100000x128xf32, #tpu.memory_space<hbm>>
        tpu.wait_indirect_dma semaphore(%arg16 : memref<!tpu.dma_semaphore, #tpu.memory_space<semaphore_mem>>) src(%dma_wait3A_187 : memref<100000x128xf32, #tpu.memory_space<hbm>>) dst(%dma_wait3A_183 : memref<128x128xf32, #tpu.memory_space<vmem>>)
        %mul3A_188 = arith.constant 128 : i32
        %mul3A_189 = arith.muli %add3A_64, %mul3A_188 : i32
        %dma_start3A_190 = arith.constant 0 : i32
        %dma_start3A_191 = arith.constant 0 : i32
        %dma_start3A_192 = arith.constant 0 : i32
        %dma_start3A_193 = tpu.memref_slice %arg10[%dma_start3A_190, %dma_start3A_191, %dma_start3A_192] : memref<4x128x128xf32, #tpu.memory_space<vmem>> -> memref<1x128x128xf32, #tpu.memory_space<vmem>>
        %dma_start3A_194 = tpu.memref_squeeze %dma_start3A_193 : memref<1x128x128xf32, #tpu.memory_space<vmem>> -> memref<128x128xf32, #tpu.memory_space<vmem>>
        %dma_start3A_195 = tpu.memref_slice %arg9[%mul3A_189] : memref<25600xi32, #tpu.memory_space<vmem>> -> memref<128xi32, #tpu.memory_space<vmem>>
        %dma_start3A_196 = arith.constant 0 : i32
        %dma_start3A_197 = arith.constant 0 : i32
        %dma_start3A_198 = tpu.memref_slice %arg13[%dma_start3A_196, %dma_start3A_197] : memref<600x128xf32, #tpu.memory_space<vmem_shared>> -> memref<600x128xf32, #tpu.memory_space<vmem_shared>>
        tpu.enqueue_indirect_dma source(%dma_start3A_198 : memref<600x128xf32, #tpu.memory_space<vmem_shared>>) target(%dma_start3A_194 : memref<128x128xf32, #tpu.memory_space<vmem>>) offsets(%dma_start3A_195 : memref<128xi32, #tpu.memory_space<vmem>>) semaphore(%arg20 : memref<!tpu.dma_semaphore, #tpu.memory_space<semaphore_mem>>) {add = true}
      } else {
      }
      %mul3A_87 = arith.constant 4 : i32
      %mul3A_88 = arith.muli %mul3A_87, %scan3A_60 : i32
      %add3A_89 = arith.constant 1 : i32
      %add3A_90 = arith.addi %mul3A_88, %add3A_89 : i32
      %ge3A_91 = arith.constant 1 : i32
      %ge3A_92 = arith.cmpi sge, %add3A_90, %ge3A_91 : i32
      %le3A_93 = arith.constant 200 : i32
      %le3A_94 = arith.cmpi sle, %add3A_90, %le3A_93 : i32
      %and3A_95 = arith.andi %ge3A_92, %le3A_94 : i1
      %convert_element_type3A_96 = arith.extui %and3A_95 : i1 to i32
      %cond3A_97 = arith.constant 0 : i32
      %cond3A_98 = arith.cmpi ne, %convert_element_type3A_96, %cond3A_97 : i32
      scf.if %cond3A_98 {
        %sub3A_177 = arith.constant 1 : i32
        %sub3A_178 = arith.subi %add3A_90, %sub3A_177 : i32
        %mul3A_179 = arith.constant 128 : i32
        %mul3A_180 = arith.muli %sub3A_178, %mul3A_179 : i32
        %dma_wait3A_181 = arith.constant 0 : i32
        %dma_wait3A_182 = arith.constant 0 : i32
        %dma_wait3A_183 = arith.constant 0 : i32
        %dma_wait3A_184 = tpu.memref_slice %arg10[%dma_wait3A_181, %dma_wait3A_182, %dma_wait3A_183] : memref<4x128x128xf32, #tpu.memory_space<vmem>> -> memref<1x128x128xf32, #tpu.memory_space<vmem>>
        %dma_wait3A_185 = tpu.memref_squeeze %dma_wait3A_184 : memref<1x128x128xf32, #tpu.memory_space<vmem>> -> memref<128x128xf32, #tpu.memory_space<vmem>>
        %dma_wait3A_186 = tpu.memref_slice %arg9[%mul3A_180] : memref<25600xi32, #tpu.memory_space<vmem>> -> memref<128xi32, #tpu.memory_space<vmem>>
        %dma_wait3A_187 = arith.constant 0 : i32
        %dma_wait3A_188 = arith.constant 0 : i32
        %dma_wait3A_189 = tpu.memref_slice %arg13[%dma_wait3A_187, %dma_wait3A_188] : memref<600x128xf32, #tpu.memory_space<vmem_shared>> -> memref<600x128xf32, #tpu.memory_space<vmem_shared>>
        tpu.wait_indirect_dma semaphore(%arg20 : memref<!tpu.dma_semaphore, #tpu.memory_space<semaphore_mem>>) src(%dma_wait3A_189 : memref<600x128xf32, #tpu.memory_space<vmem_shared>>) dst(%dma_wait3A_185 : memref<128x128xf32, #tpu.memory_space<vmem>>)
        %sub3A_190 = arith.constant 1 : i32
        %sub3A_191 = arith.subi %add3A_90, %sub3A_190 : i32
        %mul3A_192 = arith.constant 128 : i32
        %mul3A_193 = arith.muli %sub3A_191, %mul3A_192 : i32
        %add3A_194 = arith.addi %mul3A_2, %mul3A_193 : i32
        %dma_start3A_195 = arith.constant 0 : i32
        %dma_start3A_196 = arith.constant 0 : i32
        %dma_start3A_197 = arith.constant 0 : i32
        %dma_start3A_198 = tpu.memref_slice %arg10[%dma_start3A_195, %dma_start3A_196, %dma_start3A_197] : memref<4x128x128xf32, #tpu.memory_space<vmem>> -> memref<1x128x128xf32, #tpu.memory_space<vmem>>
        %dma_start3A_199 = tpu.memref_squeeze %dma_start3A_198 : memref<1x128x128xf32, #tpu.memory_space<vmem>> -> memref<128x128xf32, #tpu.memory_space<vmem>>
        %dma_start3A_200 = arith.constant 0 : i32
        %dma_start3A_201 = tpu.memref_slice %arg7[%add3A_194, %dma_start3A_200] : memref<819200x128xf32, #tpu.memory_space<hbm>> -> memref<128x128xf32, #tpu.memory_space<hbm>>
        %dma_start3A_202 = arith.constant 0 : i32
        %dma_start3A_203 = tpu.memref_slice %arg7[%add3A_194, %dma_start3A_202] : memref<819200x128xf32, #tpu.memory_space<hbm>> -> memref<128x128xf32, #tpu.memory_space<hbm>>
        %dma_start3A_204 = arith.constant 0 : i32
        %dma_start3A_205 = arith.constant 0 : i32
        %dma_start3A_206 = tpu.memref_slice %arg10[%dma_start3A_195, %dma_start3A_204, %dma_start3A_205] : memref<4x128x128xf32, #tpu.memory_space<vmem>> -> memref<1x128x128xf32, #tpu.memory_space<vmem>>
        %dma_start3A_207 = tpu.memref_squeeze %dma_start3A_206 : memref<1x128x128xf32, #tpu.memory_space<vmem>> -> memref<128x128xf32, #tpu.memory_space<vmem>>
        tpu.enqueue_dma source(%dma_start3A_207 : memref<128x128xf32, #tpu.memory_space<vmem>>) target(%dma_start3A_203 : memref<128x128xf32, #tpu.memory_space<hbm>>) target_semaphore(%arg24 : memref<!tpu.dma_semaphore, #tpu.memory_space<semaphore_mem>>)
      } else {
      }
      %ge3A_99 = arith.constant 3 : i32
      %ge3A_100 = arith.cmpi sge, %add3A_90, %ge3A_99 : i32
      %le3A_101 = arith.constant 202 : i32
      %le3A_102 = arith.cmpi sle, %add3A_90, %le3A_101 : i32
      %and3A_103 = arith.andi %ge3A_100, %le3A_102 : i1
      %convert_element_type3A_104 = arith.extui %and3A_103 : i1 to i32
      %cond3A_105 = arith.constant 0 : i32
      %cond3A_106 = arith.cmpi ne, %convert_element_type3A_104, %cond3A_105 : i32
      scf.if %cond3A_106 {
        %add3A_177 = arith.constant 1 : i32
        %add3A_178 = arith.addi %add3A_90, %add3A_177 : i32
        %sub3A_179 = arith.constant 4 : i32
        %sub3A_180 = arith.subi %add3A_178, %sub3A_179 : i32
        %mul3A_181 = arith.constant 128 : i32
        %mul3A_182 = arith.muli %sub3A_180, %mul3A_181 : i32
        %add3A_183 = arith.addi %mul3A_2, %mul3A_182 : i32
        %dma_wait3A_184 = arith.constant 2 : i32
        %dma_wait3A_185 = arith.constant 0 : i32
        %dma_wait3A_186 = arith.constant 0 : i32
        %dma_wait3A_187 = tpu.memref_slice %arg10[%dma_wait3A_184, %dma_wait3A_185, %dma_wait3A_186] : memref<4x128x128xf32, #tpu.memory_space<vmem>> -> memref<1x128x128xf32, #tpu.memory_space<vmem>>
        %dma_wait3A_188 = tpu.memref_squeeze %dma_wait3A_187 : memref<1x128x128xf32, #tpu.memory_space<vmem>> -> memref<128x128xf32, #tpu.memory_space<vmem>>
        %dma_wait3A_189 = arith.constant 0 : i32
        %dma_wait3A_190 = tpu.memref_slice %arg7[%add3A_183, %dma_wait3A_189] : memref<819200x128xf32, #tpu.memory_space<hbm>> -> memref<128x128xf32, #tpu.memory_space<hbm>>
        %dma_wait3A_191 = arith.constant 0 : i32
        %dma_wait3A_192 = tpu.memref_slice %arg7[%add3A_183, %dma_wait3A_191] : memref<819200x128xf32, #tpu.memory_space<hbm>> -> memref<128x128xf32, #tpu.memory_space<hbm>>
        %dma_wait3A_193 = arith.constant 0 : i32
        %dma_wait3A_194 = arith.constant 0 : i32
        %dma_wait3A_195 = tpu.memref_slice %arg10[%dma_wait3A_184, %dma_wait3A_193, %dma_wait3A_194] : memref<4x128x128xf32, #tpu.memory_space<vmem>> -> memref<1x128x128xf32, #tpu.memory_space<vmem>>
        %dma_wait3A_196 = tpu.memref_squeeze %dma_wait3A_195 : memref<1x128x128xf32, #tpu.memory_space<vmem>> -> memref<128x128xf32, #tpu.memory_space<vmem>>
        tpu.wait_dma2 semaphore(%arg26 : memref<!tpu.dma_semaphore, #tpu.memory_space<semaphore_mem>>) src(%dma_wait3A_196 : memref<128x128xf32, #tpu.memory_space<vmem>>) dst(%dma_wait3A_192 : memref<128x128xf32, #tpu.memory_space<hbm>>)
      } else {
      }
      %le3A_107 = arith.constant 198 : i32
      %le3A_108 = arith.cmpi sle, %add3A_90, %le3A_107 : i32
      %convert_element_type3A_109 = arith.extui %le3A_108 : i1 to i32
      %cond3A_110 = arith.constant 0 : i32
      %cond3A_111 = arith.cmpi ne, %convert_element_type3A_109, %cond3A_110 : i32
      scf.if %cond3A_111 {
        %add3A_177 = arith.constant 1 : i32
        %add3A_178 = arith.addi %add3A_90, %add3A_177 : i32
        %mul3A_179 = arith.constant 128 : i32
        %mul3A_180 = arith.muli %add3A_178, %mul3A_179 : i32
        %add3A_181 = arith.addi %mul3A_2, %mul3A_180 : i32
        %mul3A_182 = arith.constant 128 : i32
        %mul3A_183 = arith.muli %add3A_178, %mul3A_182 : i32
        %scan3A_184 = arith.constant 0 : i32
        %scan3A_185 = arith.constant 0 : i32
        %scan3A_186 = arith.constant 8 : i32
        %scan3A_187 = arith.addi %scan3A_185, %scan3A_186 : i32
        %scan3A_188 = arith.constant 1 : i32
        scf.for %scan3A_203 = %scan3A_185 to %scan3A_187 step %scan3A_188  : i32 {
          %mul3A_204 = arith.constant 16 : i32
          %mul3A_205 = arith.muli %scan3A_203, %mul3A_204 : i32
          %add3A_206 = arith.addi %mul3A_183, %mul3A_205 : i32
          %mul3A_207 = arith.constant 16 : i32
          %mul3A_208 = arith.muli %scan3A_203, %mul3A_207 : i32
          %add3A_209 = arith.addi %add3A_181, %mul3A_208 : i32
          %add3A_210 = vector.broadcast %add3A_209 : i32 to vector<16xi32>
          %add3A_211 = arith.addi %add3A_210, %iota3A : vector<16xi32>
          %rem3A_212 = arith.constant 200 : i32
          %rem3A_213 = vector.broadcast %rem3A_212 : i32 to vector<16xi32>
          %rem3A_214 = arith.remsi %add3A_211, %rem3A_213 : vector<16xi32>
          %get3A = arith.index_cast %add3A_206 : i32 to index
          %get3A_215 = tpu.vector_load %arg9[%get3A] {strides = array<i32>} : memref<25600xi32, #tpu.memory_space<vmem>>, vector<16xi32>,
          %get3A_216 = vector.shape_cast %get3A_215 : vector<16xi32> to vector<16xi32>
          %mul3A_217 = arith.constant 200 : i32
          %mul3A_218 = vector.broadcast %mul3A_217 : i32 to vector<16xi32>
          %mul3A_219 = arith.muli %get3A_216, %mul3A_218 : vector<16xi32>
          %add3A_220 = arith.addi %mul3A_219, %rem3A_214 : vector<16xi32>
          %swap3A = arith.index_cast %add3A_206 : i32 to index
          %swap3A_221 = tpu.vector_load %arg9[%swap3A] {strides = array<i32>} : memref<25600xi32, #tpu.memory_space<vmem>>, vector<16xi32>,
          %swap3A_222 = vector.shape_cast %swap3A_221 : vector<16xi32> to vector<16xi32>
          %swap3A_223 = vector.shape_cast %add3A_220 : vector<16xi32> to vector<16xi32>
          tpu.vector_store %arg9[%swap3A], %swap3A_223 {strides = array<i32>} : memref<25600xi32, #tpu.memory_space<vmem>>, vector<16xi32>,
        }
        %scan3A_189 = arith.constant 8 : i32
        %add3A_190 = arith.constant 1 : i32
        %add3A_191 = arith.addi %add3A_90, %add3A_190 : i32
        %mul3A_192 = arith.constant 128 : i32
        %mul3A_193 = arith.muli %add3A_191, %mul3A_192 : i32
        %dma_start3A_194 = arith.constant 2 : i32
        %dma_start3A_195 = arith.constant 0 : i32
        %dma_start3A_196 = arith.constant 0 : i32
        %dma_start3A_197 = tpu.memref_slice %arg10[%dma_start3A_194, %dma_start3A_195, %dma_start3A_196] : memref<4x128x128xf32, #tpu.memory_space<vmem>> -> memref<1x128x128xf32, #tpu.memory_space<vmem>>
        %dma_start3A_198 = tpu.memref_squeeze %dma_start3A_197 : memref<1x128x128xf32, #tpu.memory_space<vmem>> -> memref<128x128xf32, #tpu.memory_space<vmem>>
        %dma_start3A_199 = tpu.memref_slice %arg8[%mul3A_193] : memref<25600xi32, #tpu.memory_space<vmem>> -> memref<128xi32, #tpu.memory_space<vmem>>
        %dma_start3A_200 = arith.constant 0 : i32
        %dma_start3A_201 = arith.constant 0 : i32
        %dma_start3A_202 = tpu.memref_slice %arg4[%dma_start3A_200, %dma_start3A_201] : memref<100000x128xf32, #tpu.memory_space<hbm>> -> memref<100000x128xf32, #tpu.memory_space<hbm>>
        tpu.enqueue_indirect_dma source(%dma_start3A_202 : memref<100000x128xf32, #tpu.memory_space<hbm>>) target(%dma_start3A_198 : memref<128x128xf32, #tpu.memory_space<vmem>>) offsets(%dma_start3A_199 : memref<128xi32, #tpu.memory_space<vmem>>) semaphore(%arg18 : memref<!tpu.dma_semaphore, #tpu.memory_space<semaphore_mem>>)
      } else {
      }
      %le3A_112 = arith.constant 199 : i32
      %le3A_113 = arith.cmpi sle, %add3A_90, %le3A_112 : i32
      %convert_element_type3A_114 = arith.extui %le3A_113 : i1 to i32
      %cond3A_115 = arith.constant 0 : i32
      %cond3A_116 = arith.cmpi ne, %convert_element_type3A_114, %cond3A_115 : i32
      scf.if %cond3A_116 {
        %mul3A_177 = arith.constant 128 : i32
        %mul3A_178 = arith.muli %add3A_90, %mul3A_177 : i32
        %dma_wait3A_179 = arith.constant 1 : i32
        %dma_wait3A_180 = arith.constant 0 : i32
        %dma_wait3A_181 = arith.constant 0 : i32
        %dma_wait3A_182 = tpu.memref_slice %arg10[%dma_wait3A_179, %dma_wait3A_180, %dma_wait3A_181] : memref<4x128x128xf32, #tpu.memory_space<vmem>> -> memref<1x128x128xf32, #tpu.memory_space<vmem>>
        %dma_wait3A_183 = tpu.memref_squeeze %dma_wait3A_182 : memref<1x128x128xf32, #tpu.memory_space<vmem>> -> memref<128x128xf32, #tpu.memory_space<vmem>>
        %dma_wait3A_184 = tpu.memref_slice %arg8[%mul3A_178] : memref<25600xi32, #tpu.memory_space<vmem>> -> memref<128xi32, #tpu.memory_space<vmem>>
        %dma_wait3A_185 = arith.constant 0 : i32
        %dma_wait3A_186 = arith.constant 0 : i32
        %dma_wait3A_187 = tpu.memref_slice %arg4[%dma_wait3A_185, %dma_wait3A_186] : memref<100000x128xf32, #tpu.memory_space<hbm>> -> memref<100000x128xf32, #tpu.memory_space<hbm>>
        tpu.wait_indirect_dma semaphore(%arg17 : memref<!tpu.dma_semaphore, #tpu.memory_space<semaphore_mem>>) src(%dma_wait3A_187 : memref<100000x128xf32, #tpu.memory_space<hbm>>) dst(%dma_wait3A_183 : memref<128x128xf32, #tpu.memory_space<vmem>>)
        %mul3A_188 = arith.constant 128 : i32
        %mul3A_189 = arith.muli %add3A_90, %mul3A_188 : i32
        %dma_start3A_190 = arith.constant 1 : i32
        %dma_start3A_191 = arith.constant 0 : i32
        %dma_start3A_192 = arith.constant 0 : i32
        %dma_start3A_193 = tpu.memref_slice %arg10[%dma_start3A_190, %dma_start3A_191, %dma_start3A_192] : memref<4x128x128xf32, #tpu.memory_space<vmem>> -> memref<1x128x128xf32, #tpu.memory_space<vmem>>
        %dma_start3A_194 = tpu.memref_squeeze %dma_start3A_193 : memref<1x128x128xf32, #tpu.memory_space<vmem>> -> memref<128x128xf32, #tpu.memory_space<vmem>>
        %dma_start3A_195 = tpu.memref_slice %arg9[%mul3A_189] : memref<25600xi32, #tpu.memory_space<vmem>> -> memref<128xi32, #tpu.memory_space<vmem>>
        %dma_start3A_196 = arith.constant 0 : i32
        %dma_start3A_197 = arith.constant 0 : i32
        %dma_start3A_198 = tpu.memref_slice %arg13[%dma_start3A_196, %dma_start3A_197] : memref<600x128xf32, #tpu.memory_space<vmem_shared>> -> memref<600x128xf32, #tpu.memory_space<vmem_shared>>
        tpu.enqueue_indirect_dma source(%dma_start3A_198 : memref<600x128xf32, #tpu.memory_space<vmem_shared>>) target(%dma_start3A_194 : memref<128x128xf32, #tpu.memory_space<vmem>>) offsets(%dma_start3A_195 : memref<128xi32, #tpu.memory_space<vmem>>) semaphore(%arg21 : memref<!tpu.dma_semaphore, #tpu.memory_space<semaphore_mem>>) {add = true}
      } else {
      }
      %mul3A_117 = arith.constant 4 : i32
      %mul3A_118 = arith.muli %mul3A_117, %scan3A_60 : i32
      %add3A_119 = arith.constant 2 : i32
      %add3A_120 = arith.addi %mul3A_118, %add3A_119 : i32
      %ge3A_121 = arith.constant 1 : i32
      %ge3A_122 = arith.cmpi sge, %add3A_120, %ge3A_121 : i32
      %le3A_123 = arith.constant 200 : i32
      %le3A_124 = arith.cmpi sle, %add3A_120, %le3A_123 : i32
      %and3A_125 = arith.andi %ge3A_122, %le3A_124 : i1
      %convert_element_type3A_126 = arith.extui %and3A_125 : i1 to i32
      %cond3A_127 = arith.constant 0 : i32
      %cond3A_128 = arith.cmpi ne, %convert_element_type3A_126, %cond3A_127 : i32
      scf.if %cond3A_128 {
        %sub3A_177 = arith.constant 1 : i32
        %sub3A_178 = arith.subi %add3A_120, %sub3A_177 : i32
        %mul3A_179 = arith.constant 128 : i32
        %mul3A_180 = arith.muli %sub3A_178, %mul3A_179 : i32
        %dma_wait3A_181 = arith.constant 1 : i32
        %dma_wait3A_182 = arith.constant 0 : i32
        %dma_wait3A_183 = arith.constant 0 : i32
        %dma_wait3A_184 = tpu.memref_slice %arg10[%dma_wait3A_181, %dma_wait3A_182, %dma_wait3A_183] : memref<4x128x128xf32, #tpu.memory_space<vmem>> -> memref<1x128x128xf32, #tpu.memory_space<vmem>>
        %dma_wait3A_185 = tpu.memref_squeeze %dma_wait3A_184 : memref<1x128x128xf32, #tpu.memory_space<vmem>> -> memref<128x128xf32, #tpu.memory_space<vmem>>
        %dma_wait3A_186 = tpu.memref_slice %arg9[%mul3A_180] : memref<25600xi32, #tpu.memory_space<vmem>> -> memref<128xi32, #tpu.memory_space<vmem>>
        %dma_wait3A_187 = arith.constant 0 : i32
        %dma_wait3A_188 = arith.constant 0 : i32
        %dma_wait3A_189 = tpu.memref_slice %arg13[%dma_wait3A_187, %dma_wait3A_188] : memref<600x128xf32, #tpu.memory_space<vmem_shared>> -> memref<600x128xf32, #tpu.memory_space<vmem_shared>>
        tpu.wait_indirect_dma semaphore(%arg21 : memref<!tpu.dma_semaphore, #tpu.memory_space<semaphore_mem>>) src(%dma_wait3A_189 : memref<600x128xf32, #tpu.memory_space<vmem_shared>>) dst(%dma_wait3A_185 : memref<128x128xf32, #tpu.memory_space<vmem>>)
        %sub3A_190 = arith.constant 1 : i32
        %sub3A_191 = arith.subi %add3A_120, %sub3A_190 : i32
        %mul3A_192 = arith.constant 128 : i32
        %mul3A_193 = arith.muli %sub3A_191, %mul3A_192 : i32
        %add3A_194 = arith.addi %mul3A_2, %mul3A_193 : i32
        %dma_start3A_195 = arith.constant 1 : i32
        %dma_start3A_196 = arith.constant 0 : i32
        %dma_start3A_197 = arith.constant 0 : i32
        %dma_start3A_198 = tpu.memref_slice %arg10[%dma_start3A_195, %dma_start3A_196, %dma_start3A_197] : memref<4x128x128xf32, #tpu.memory_space<vmem>> -> memref<1x128x128xf32, #tpu.memory_space<vmem>>
        %dma_start3A_199 = tpu.memref_squeeze %dma_start3A_198 : memref<1x128x128xf32, #tpu.memory_space<vmem>> -> memref<128x128xf32, #tpu.memory_space<vmem>>
        %dma_start3A_200 = arith.constant 0 : i32
        %dma_start3A_201 = tpu.memref_slice %arg7[%add3A_194, %dma_start3A_200] : memref<819200x128xf32, #tpu.memory_space<hbm>> -> memref<128x128xf32, #tpu.memory_space<hbm>>
        %dma_start3A_202 = arith.constant 0 : i32
        %dma_start3A_203 = tpu.memref_slice %arg7[%add3A_194, %dma_start3A_202] : memref<819200x128xf32, #tpu.memory_space<hbm>> -> memref<128x128xf32, #tpu.memory_space<hbm>>
        %dma_start3A_204 = arith.constant 0 : i32
        %dma_start3A_205 = arith.constant 0 : i32
        %dma_start3A_206 = tpu.memref_slice %arg10[%dma_start3A_195, %dma_start3A_204, %dma_start3A_205] : memref<4x128x128xf32, #tpu.memory_space<vmem>> -> memref<1x128x128xf32, #tpu.memory_space<vmem>>
        %dma_start3A_207 = tpu.memref_squeeze %dma_start3A_206 : memref<1x128x128xf32, #tpu.memory_space<vmem>> -> memref<128x128xf32, #tpu.memory_space<vmem>>
        tpu.enqueue_dma source(%dma_start3A_207 : memref<128x128xf32, #tpu.memory_space<vmem>>) target(%dma_start3A_203 : memref<128x128xf32, #tpu.memory_space<hbm>>) target_semaphore(%arg25 : memref<!tpu.dma_semaphore, #tpu.memory_space<semaphore_mem>>)
      } else {
      }
      %ge3A_129 = arith.constant 3 : i32
      %ge3A_130 = arith.cmpi sge, %add3A_120, %ge3A_129 : i32
      %le3A_131 = arith.constant 202 : i32
      %le3A_132 = arith.cmpi sle, %add3A_120, %le3A_131 : i32
      %and3A_133 = arith.andi %ge3A_130, %le3A_132 : i1
      %convert_element_type3A_134 = arith.extui %and3A_133 : i1 to i32
      %cond3A_135 = arith.constant 0 : i32
      %cond3A_136 = arith.cmpi ne, %convert_element_type3A_134, %cond3A_135 : i32
      scf.if %cond3A_136 {
        %add3A_177 = arith.constant 1 : i32
        %add3A_178 = arith.addi %add3A_120, %add3A_177 : i32
        %sub3A_179 = arith.constant 4 : i32
        %sub3A_180 = arith.subi %add3A_178, %sub3A_179 : i32
        %mul3A_181 = arith.constant 128 : i32
        %mul3A_182 = arith.muli %sub3A_180, %mul3A_181 : i32
        %add3A_183 = arith.addi %mul3A_2, %mul3A_182 : i32
        %dma_wait3A_184 = arith.constant 3 : i32
        %dma_wait3A_185 = arith.constant 0 : i32
        %dma_wait3A_186 = arith.constant 0 : i32
        %dma_wait3A_187 = tpu.memref_slice %arg10[%dma_wait3A_184, %dma_wait3A_185, %dma_wait3A_186] : memref<4x128x128xf32, #tpu.memory_space<vmem>> -> memref<1x128x128xf32, #tpu.memory_space<vmem>>
        %dma_wait3A_188 = tpu.memref_squeeze %dma_wait3A_187 : memref<1x128x128xf32, #tpu.memory_space<vmem>> -> memref<128x128xf32, #tpu.memory_space<vmem>>
        %dma_wait3A_189 = arith.constant 0 : i32
        %dma_wait3A_190 = tpu.memref_slice %arg7[%add3A_183, %dma_wait3A_189] : memref<819200x128xf32, #tpu.memory_space<hbm>> -> memref<128x128xf32, #tpu.memory_space<hbm>>
        %dma_wait3A_191 = arith.constant 0 : i32
        %dma_wait3A_192 = tpu.memref_slice %arg7[%add3A_183, %dma_wait3A_191] : memref<819200x128xf32, #tpu.memory_space<hbm>> -> memref<128x128xf32, #tpu.memory_space<hbm>>
        %dma_wait3A_193 = arith.constant 0 : i32
        %dma_wait3A_194 = arith.constant 0 : i32
        %dma_wait3A_195 = tpu.memref_slice %arg10[%dma_wait3A_184, %dma_wait3A_193, %dma_wait3A_194] : memref<4x128x128xf32, #tpu.memory_space<vmem>> -> memref<1x128x128xf32, #tpu.memory_space<vmem>>
        %dma_wait3A_196 = tpu.memref_squeeze %dma_wait3A_195 : memref<1x128x128xf32, #tpu.memory_space<vmem>> -> memref<128x128xf32, #tpu.memory_space<vmem>>
        tpu.wait_dma2 semaphore(%arg27 : memref<!tpu.dma_semaphore, #tpu.memory_space<semaphore_mem>>) src(%dma_wait3A_196 : memref<128x128xf32, #tpu.memory_space<vmem>>) dst(%dma_wait3A_192 : memref<128x128xf32, #tpu.memory_space<hbm>>)
      } else {
      }
      %le3A_137 = arith.constant 198 : i32
      %le3A_138 = arith.cmpi sle, %add3A_120, %le3A_137 : i32
      %convert_element_type3A_139 = arith.extui %le3A_138 : i1 to i32
      %cond3A_140 = arith.constant 0 : i32
      %cond3A_141 = arith.cmpi ne, %convert_element_type3A_139, %cond3A_140 : i32
      scf.if %cond3A_141 {
        %add3A_177 = arith.constant 1 : i32
        %add3A_178 = arith.addi %add3A_120, %add3A_177 : i32
        %mul3A_179 = arith.constant 128 : i32
        %mul3A_180 = arith.muli %add3A_178, %mul3A_179 : i32
        %add3A_181 = arith.addi %mul3A_2, %mul3A_180 : i32
        %mul3A_182 = arith.constant 128 : i32
        %mul3A_183 = arith.muli %add3A_178, %mul3A_182 : i32
        %scan3A_184 = arith.constant 0 : i32
        %scan3A_185 = arith.constant 0 : i32
        %scan3A_186 = arith.constant 8 : i32
        %scan3A_187 = arith.addi %scan3A_185, %scan3A_186 : i32
        %scan3A_188 = arith.constant 1 : i32
        scf.for %scan3A_203 = %scan3A_185 to %scan3A_187 step %scan3A_188  : i32 {
          %mul3A_204 = arith.constant 16 : i32
          %mul3A_205 = arith.muli %scan3A_203, %mul3A_204 : i32
          %add3A_206 = arith.addi %mul3A_183, %mul3A_205 : i32
          %mul3A_207 = arith.constant 16 : i32
          %mul3A_208 = arith.muli %scan3A_203, %mul3A_207 : i32
          %add3A_209 = arith.addi %add3A_181, %mul3A_208 : i32
          %add3A_210 = vector.broadcast %add3A_209 : i32 to vector<16xi32>
          %add3A_211 = arith.addi %add3A_210, %iota3A : vector<16xi32>
          %rem3A_212 = arith.constant 200 : i32
          %rem3A_213 = vector.broadcast %rem3A_212 : i32 to vector<16xi32>
          %rem3A_214 = arith.remsi %add3A_211, %rem3A_213 : vector<16xi32>
          %get3A = arith.index_cast %add3A_206 : i32 to index
          %get3A_215 = tpu.vector_load %arg9[%get3A] {strides = array<i32>} : memref<25600xi32, #tpu.memory_space<vmem>>, vector<16xi32>,
          %get3A_216 = vector.shape_cast %get3A_215 : vector<16xi32> to vector<16xi32>
          %mul3A_217 = arith.constant 200 : i32
          %mul3A_218 = vector.broadcast %mul3A_217 : i32 to vector<16xi32>
          %mul3A_219 = arith.muli %get3A_216, %mul3A_218 : vector<16xi32>
          %add3A_220 = arith.addi %mul3A_219, %rem3A_214 : vector<16xi32>
          %swap3A = arith.index_cast %add3A_206 : i32 to index
          %swap3A_221 = tpu.vector_load %arg9[%swap3A] {strides = array<i32>} : memref<25600xi32, #tpu.memory_space<vmem>>, vector<16xi32>,
          %swap3A_222 = vector.shape_cast %swap3A_221 : vector<16xi32> to vector<16xi32>
          %swap3A_223 = vector.shape_cast %add3A_220 : vector<16xi32> to vector<16xi32>
          tpu.vector_store %arg9[%swap3A], %swap3A_223 {strides = array<i32>} : memref<25600xi32, #tpu.memory_space<vmem>>, vector<16xi32>,
        }
        %scan3A_189 = arith.constant 8 : i32
        %add3A_190 = arith.constant 1 : i32
        %add3A_191 = arith.addi %add3A_120, %add3A_190 : i32
        %mul3A_192 = arith.constant 128 : i32
        %mul3A_193 = arith.muli %add3A_191, %mul3A_192 : i32
        %dma_start3A_194 = arith.constant 3 : i32
        %dma_start3A_195 = arith.constant 0 : i32
        %dma_start3A_196 = arith.constant 0 : i32
        %dma_start3A_197 = tpu.memref_slice %arg10[%dma_start3A_194, %dma_start3A_195, %dma_start3A_196] : memref<4x128x128xf32, #tpu.memory_space<vmem>> -> memref<1x128x128xf32, #tpu.memory_space<vmem>>
        %dma_start3A_198 = tpu.memref_squeeze %dma_start3A_197 : memref<1x128x128xf32, #tpu.memory_space<vmem>> -> memref<128x128xf32, #tpu.memory_space<vmem>>
        %dma_start3A_199 = tpu.memref_slice %arg8[%mul3A_193] : memref<25600xi32, #tpu.memory_space<vmem>> -> memref<128xi32, #tpu.memory_space<vmem>>
        %dma_start3A_200 = arith.constant 0 : i32
        %dma_start3A_201 = arith.constant 0 : i32
        %dma_start3A_202 = tpu.memref_slice %arg4[%dma_start3A_200, %dma_start3A_201] : memref<100000x128xf32, #tpu.memory_space<hbm>> -> memref<100000x128xf32, #tpu.memory_space<hbm>>
        tpu.enqueue_indirect_dma source(%dma_start3A_202 : memref<100000x128xf32, #tpu.memory_space<hbm>>) target(%dma_start3A_198 : memref<128x128xf32, #tpu.memory_space<vmem>>) offsets(%dma_start3A_199 : memref<128xi32, #tpu.memory_space<vmem>>) semaphore(%arg19 : memref<!tpu.dma_semaphore, #tpu.memory_space<semaphore_mem>>)
      } else {
      }
      %le3A_142 = arith.constant 199 : i32
      %le3A_143 = arith.cmpi sle, %add3A_120, %le3A_142 : i32
      %convert_element_type3A_144 = arith.extui %le3A_143 : i1 to i32
      %cond3A_145 = arith.constant 0 : i32
      %cond3A_146 = arith.cmpi ne, %convert_element_type3A_144, %cond3A_145 : i32
      scf.if %cond3A_146 {
        %mul3A_177 = arith.constant 128 : i32
        %mul3A_178 = arith.muli %add3A_120, %mul3A_177 : i32
        %dma_wait3A_179 = arith.constant 2 : i32
        %dma_wait3A_180 = arith.constant 0 : i32
        %dma_wait3A_181 = arith.constant 0 : i32
        %dma_wait3A_182 = tpu.memref_slice %arg10[%dma_wait3A_179, %dma_wait3A_180, %dma_wait3A_181] : memref<4x128x128xf32, #tpu.memory_space<vmem>> -> memref<1x128x128xf32, #tpu.memory_space<vmem>>
        %dma_wait3A_183 = tpu.memref_squeeze %dma_wait3A_182 : memref<1x128x128xf32, #tpu.memory_space<vmem>> -> memref<128x128xf32, #tpu.memory_space<vmem>>
        %dma_wait3A_184 = tpu.memref_slice %arg8[%mul3A_178] : memref<25600xi32, #tpu.memory_space<vmem>> -> memref<128xi32, #tpu.memory_space<vmem>>
        %dma_wait3A_185 = arith.constant 0 : i32
        %dma_wait3A_186 = arith.constant 0 : i32
        %dma_wait3A_187 = tpu.memref_slice %arg4[%dma_wait3A_185, %dma_wait3A_186] : memref<100000x128xf32, #tpu.memory_space<hbm>> -> memref<100000x128xf32, #tpu.memory_space<hbm>>
        tpu.wait_indirect_dma semaphore(%arg18 : memref<!tpu.dma_semaphore, #tpu.memory_space<semaphore_mem>>) src(%dma_wait3A_187 : memref<100000x128xf32, #tpu.memory_space<hbm>>) dst(%dma_wait3A_183 : memref<128x128xf32, #tpu.memory_space<vmem>>)
        %mul3A_188 = arith.constant 128 : i32
        %mul3A_189 = arith.muli %add3A_120, %mul3A_188 : i32
        %dma_start3A_190 = arith.constant 2 : i32
        %dma_start3A_191 = arith.constant 0 : i32
        %dma_start3A_192 = arith.constant 0 : i32
        %dma_start3A_193 = tpu.memref_slice %arg10[%dma_start3A_190, %dma_start3A_191, %dma_start3A_192] : memref<4x128x128xf32, #tpu.memory_space<vmem>> -> memref<1x128x128xf32, #tpu.memory_space<vmem>>
        %dma_start3A_194 = tpu.memref_squeeze %dma_start3A_193 : memref<1x128x128xf32, #tpu.memory_space<vmem>> -> memref<128x128xf32, #tpu.memory_space<vmem>>
        %dma_start3A_195 = tpu.memref_slice %arg9[%mul3A_189] : memref<25600xi32, #tpu.memory_space<vmem>> -> memref<128xi32, #tpu.memory_space<vmem>>
        %dma_start3A_196 = arith.constant 0 : i32
        %dma_start3A_197 = arith.constant 0 : i32
        %dma_start3A_198 = tpu.memref_slice %arg13[%dma_start3A_196, %dma_start3A_197] : memref<600x128xf32, #tpu.memory_space<vmem_shared>> -> memref<600x128xf32, #tpu.memory_space<vmem_shared>>
        tpu.enqueue_indirect_dma source(%dma_start3A_198 : memref<600x128xf32, #tpu.memory_space<vmem_shared>>) target(%dma_start3A_194 : memref<128x128xf32, #tpu.memory_space<vmem>>) offsets(%dma_start3A_195 : memref<128xi32, #tpu.memory_space<vmem>>) semaphore(%arg22 : memref<!tpu.dma_semaphore, #tpu.memory_space<semaphore_mem>>) {add = true}
      } else {
      }
      %mul3A_147 = arith.constant 4 : i32
      %mul3A_148 = arith.muli %mul3A_147, %scan3A_60 : i32
      %add3A_149 = arith.constant 3 : i32
      %add3A_150 = arith.addi %mul3A_148, %add3A_149 : i32
      %ge3A_151 = arith.constant 1 : i32
      %ge3A_152 = arith.cmpi sge, %add3A_150, %ge3A_151 : i32
      %le3A_153 = arith.constant 200 : i32
      %le3A_154 = arith.cmpi sle, %add3A_150, %le3A_153 : i32
      %and3A_155 = arith.andi %ge3A_152, %le3A_154 : i1
      %convert_element_type3A_156 = arith.extui %and3A_155 : i1 to i32
      %cond3A_157 = arith.constant 0 : i32
      %cond3A_158 = arith.cmpi ne, %convert_element_type3A_156, %cond3A_157 : i32
      scf.if %cond3A_158 {
        %sub3A_177 = arith.constant 1 : i32
        %sub3A_178 = arith.subi %add3A_150, %sub3A_177 : i32
        %mul3A_179 = arith.constant 128 : i32
        %mul3A_180 = arith.muli %sub3A_178, %mul3A_179 : i32
        %dma_wait3A_181 = arith.constant 2 : i32
        %dma_wait3A_182 = arith.constant 0 : i32
        %dma_wait3A_183 = arith.constant 0 : i32
        %dma_wait3A_184 = tpu.memref_slice %arg10[%dma_wait3A_181, %dma_wait3A_182, %dma_wait3A_183] : memref<4x128x128xf32, #tpu.memory_space<vmem>> -> memref<1x128x128xf32, #tpu.memory_space<vmem>>
        %dma_wait3A_185 = tpu.memref_squeeze %dma_wait3A_184 : memref<1x128x128xf32, #tpu.memory_space<vmem>> -> memref<128x128xf32, #tpu.memory_space<vmem>>
        %dma_wait3A_186 = tpu.memref_slice %arg9[%mul3A_180] : memref<25600xi32, #tpu.memory_space<vmem>> -> memref<128xi32, #tpu.memory_space<vmem>>
        %dma_wait3A_187 = arith.constant 0 : i32
        %dma_wait3A_188 = arith.constant 0 : i32
        %dma_wait3A_189 = tpu.memref_slice %arg13[%dma_wait3A_187, %dma_wait3A_188] : memref<600x128xf32, #tpu.memory_space<vmem_shared>> -> memref<600x128xf32, #tpu.memory_space<vmem_shared>>
        tpu.wait_indirect_dma semaphore(%arg22 : memref<!tpu.dma_semaphore, #tpu.memory_space<semaphore_mem>>) src(%dma_wait3A_189 : memref<600x128xf32, #tpu.memory_space<vmem_shared>>) dst(%dma_wait3A_185 : memref<128x128xf32, #tpu.memory_space<vmem>>)
        %sub3A_190 = arith.constant 1 : i32
        %sub3A_191 = arith.subi %add3A_150, %sub3A_190 : i32
        %mul3A_192 = arith.constant 128 : i32
        %mul3A_193 = arith.muli %sub3A_191, %mul3A_192 : i32
        %add3A_194 = arith.addi %mul3A_2, %mul3A_193 : i32
        %dma_start3A_195 = arith.constant 2 : i32
        %dma_start3A_196 = arith.constant 0 : i32
        %dma_start3A_197 = arith.constant 0 : i32
        %dma_start3A_198 = tpu.memref_slice %arg10[%dma_start3A_195, %dma_start3A_196, %dma_start3A_197] : memref<4x128x128xf32, #tpu.memory_space<vmem>> -> memref<1x128x128xf32, #tpu.memory_space<vmem>>
        %dma_start3A_199 = tpu.memref_squeeze %dma_start3A_198 : memref<1x128x128xf32, #tpu.memory_space<vmem>> -> memref<128x128xf32, #tpu.memory_space<vmem>>
        %dma_start3A_200 = arith.constant 0 : i32
        %dma_start3A_201 = tpu.memref_slice %arg7[%add3A_194, %dma_start3A_200] : memref<819200x128xf32, #tpu.memory_space<hbm>> -> memref<128x128xf32, #tpu.memory_space<hbm>>
        %dma_start3A_202 = arith.constant 0 : i32
        %dma_start3A_203 = tpu.memref_slice %arg7[%add3A_194, %dma_start3A_202] : memref<819200x128xf32, #tpu.memory_space<hbm>> -> memref<128x128xf32, #tpu.memory_space<hbm>>
        %dma_start3A_204 = arith.constant 0 : i32
        %dma_start3A_205 = arith.constant 0 : i32
        %dma_start3A_206 = tpu.memref_slice %arg10[%dma_start3A_195, %dma_start3A_204, %dma_start3A_205] : memref<4x128x128xf32, #tpu.memory_space<vmem>> -> memref<1x128x128xf32, #tpu.memory_space<vmem>>
        %dma_start3A_207 = tpu.memref_squeeze %dma_start3A_206 : memref<1x128x128xf32, #tpu.memory_space<vmem>> -> memref<128x128xf32, #tpu.memory_space<vmem>>
        tpu.enqueue_dma source(%dma_start3A_207 : memref<128x128xf32, #tpu.memory_space<vmem>>) target(%dma_start3A_203 : memref<128x128xf32, #tpu.memory_space<hbm>>) target_semaphore(%arg26 : memref<!tpu.dma_semaphore, #tpu.memory_space<semaphore_mem>>)
      } else {
      }
      %ge3A_159 = arith.constant 3 : i32
      %ge3A_160 = arith.cmpi sge, %add3A_150, %ge3A_159 : i32
      %le3A_161 = arith.constant 202 : i32
      %le3A_162 = arith.cmpi sle, %add3A_150, %le3A_161 : i32
      %and3A_163 = arith.andi %ge3A_160, %le3A_162 : i1
      %convert_element_type3A_164 = arith.extui %and3A_163 : i1 to i32
      %cond3A_165 = arith.constant 0 : i32
      %cond3A_166 = arith.cmpi ne, %convert_element_type3A_164, %cond3A_165 : i32
      scf.if %cond3A_166 {
        %add3A_177 = arith.constant 1 : i32
        %add3A_178 = arith.addi %add3A_150, %add3A_177 : i32
        %sub3A_179 = arith.constant 4 : i32
        %sub3A_180 = arith.subi %add3A_178, %sub3A_179 : i32
        %mul3A_181 = arith.constant 128 : i32
        %mul3A_182 = arith.muli %sub3A_180, %mul3A_181 : i32
        %add3A_183 = arith.addi %mul3A_2, %mul3A_182 : i32
        %dma_wait3A_184 = arith.constant 0 : i32
        %dma_wait3A_185 = arith.constant 0 : i32
        %dma_wait3A_186 = arith.constant 0 : i32
        %dma_wait3A_187 = tpu.memref_slice %arg10[%dma_wait3A_184, %dma_wait3A_185, %dma_wait3A_186] : memref<4x128x128xf32, #tpu.memory_space<vmem>> -> memref<1x128x128xf32, #tpu.memory_space<vmem>>
        %dma_wait3A_188 = tpu.memref_squeeze %dma_wait3A_187 : memref<1x128x128xf32, #tpu.memory_space<vmem>> -> memref<128x128xf32, #tpu.memory_space<vmem>>
        %dma_wait3A_189 = arith.constant 0 : i32
        %dma_wait3A_190 = tpu.memref_slice %arg7[%add3A_183, %dma_wait3A_189] : memref<819200x128xf32, #tpu.memory_space<hbm>> -> memref<128x128xf32, #tpu.memory_space<hbm>>
        %dma_wait3A_191 = arith.constant 0 : i32
        %dma_wait3A_192 = tpu.memref_slice %arg7[%add3A_183, %dma_wait3A_191] : memref<819200x128xf32, #tpu.memory_space<hbm>> -> memref<128x128xf32, #tpu.memory_space<hbm>>
        %dma_wait3A_193 = arith.constant 0 : i32
        %dma_wait3A_194 = arith.constant 0 : i32
        %dma_wait3A_195 = tpu.memref_slice %arg10[%dma_wait3A_184, %dma_wait3A_193, %dma_wait3A_194] : memref<4x128x128xf32, #tpu.memory_space<vmem>> -> memref<1x128x128xf32, #tpu.memory_space<vmem>>
        %dma_wait3A_196 = tpu.memref_squeeze %dma_wait3A_195 : memref<1x128x128xf32, #tpu.memory_space<vmem>> -> memref<128x128xf32, #tpu.memory_space<vmem>>
        tpu.wait_dma2 semaphore(%arg24 : memref<!tpu.dma_semaphore, #tpu.memory_space<semaphore_mem>>) src(%dma_wait3A_196 : memref<128x128xf32, #tpu.memory_space<vmem>>) dst(%dma_wait3A_192 : memref<128x128xf32, #tpu.memory_space<hbm>>)
      } else {
      }
      %le3A_167 = arith.constant 198 : i32
      %le3A_168 = arith.cmpi sle, %add3A_150, %le3A_167 : i32
      %convert_element_type3A_169 = arith.extui %le3A_168 : i1 to i32
      %cond3A_170 = arith.constant 0 : i32
      %cond3A_171 = arith.cmpi ne, %convert_element_type3A_169, %cond3A_170 : i32
      scf.if %cond3A_171 {
        %add3A_177 = arith.constant 1 : i32
        %add3A_178 = arith.addi %add3A_150, %add3A_177 : i32
        %mul3A_179 = arith.constant 128 : i32
        %mul3A_180 = arith.muli %add3A_178, %mul3A_179 : i32
        %add3A_181 = arith.addi %mul3A_2, %mul3A_180 : i32
        %mul3A_182 = arith.constant 128 : i32
        %mul3A_183 = arith.muli %add3A_178, %mul3A_182 : i32
        %scan3A_184 = arith.constant 0 : i32
        %scan3A_185 = arith.constant 0 : i32
        %scan3A_186 = arith.constant 8 : i32
        %scan3A_187 = arith.addi %scan3A_185, %scan3A_186 : i32
        %scan3A_188 = arith.constant 1 : i32
        scf.for %scan3A_203 = %scan3A_185 to %scan3A_187 step %scan3A_188  : i32 {
          %mul3A_204 = arith.constant 16 : i32
          %mul3A_205 = arith.muli %scan3A_203, %mul3A_204 : i32
          %add3A_206 = arith.addi %mul3A_183, %mul3A_205 : i32
          %mul3A_207 = arith.constant 16 : i32
          %mul3A_208 = arith.muli %scan3A_203, %mul3A_207 : i32
          %add3A_209 = arith.addi %add3A_181, %mul3A_208 : i32
          %add3A_210 = vector.broadcast %add3A_209 : i32 to vector<16xi32>
          %add3A_211 = arith.addi %add3A_210, %iota3A : vector<16xi32>
          %rem3A_212 = arith.constant 200 : i32
          %rem3A_213 = vector.broadcast %rem3A_212 : i32 to vector<16xi32>
          %rem3A_214 = arith.remsi %add3A_211, %rem3A_213 : vector<16xi32>
          %get3A = arith.index_cast %add3A_206 : i32 to index
          %get3A_215 = tpu.vector_load %arg9[%get3A] {strides = array<i32>} : memref<25600xi32, #tpu.memory_space<vmem>>, vector<16xi32>,
          %get3A_216 = vector.shape_cast %get3A_215 : vector<16xi32> to vector<16xi32>
          %mul3A_217 = arith.constant 200 : i32
          %mul3A_218 = vector.broadcast %mul3A_217 : i32 to vector<16xi32>
          %mul3A_219 = arith.muli %get3A_216, %mul3A_218 : vector<16xi32>
          %add3A_220 = arith.addi %mul3A_219, %rem3A_214 : vector<16xi32>
          %swap3A = arith.index_cast %add3A_206 : i32 to index
          %swap3A_221 = tpu.vector_load %arg9[%swap3A] {strides = array<i32>} : memref<25600xi32, #tpu.memory_space<vmem>>, vector<16xi32>,
          %swap3A_222 = vector.shape_cast %swap3A_221 : vector<16xi32> to vector<16xi32>
          %swap3A_223 = vector.shape_cast %add3A_220 : vector<16xi32> to vector<16xi32>
          tpu.vector_store %arg9[%swap3A], %swap3A_223 {strides = array<i32>} : memref<25600xi32, #tpu.memory_space<vmem>>, vector<16xi32>,
        }
        %scan3A_189 = arith.constant 8 : i32
        %add3A_190 = arith.constant 1 : i32
        %add3A_191 = arith.addi %add3A_150, %add3A_190 : i32
        %mul3A_192 = arith.constant 128 : i32
        %mul3A_193 = arith.muli %add3A_191, %mul3A_192 : i32
        %dma_start3A_194 = arith.constant 0 : i32
        %dma_start3A_195 = arith.constant 0 : i32
        %dma_start3A_196 = arith.constant 0 : i32
        %dma_start3A_197 = tpu.memref_slice %arg10[%dma_start3A_194, %dma_start3A_195, %dma_start3A_196] : memref<4x128x128xf32, #tpu.memory_space<vmem>> -> memref<1x128x128xf32, #tpu.memory_space<vmem>>
        %dma_start3A_198 = tpu.memref_squeeze %dma_start3A_197 : memref<1x128x128xf32, #tpu.memory_space<vmem>> -> memref<128x128xf32, #tpu.memory_space<vmem>>
        %dma_start3A_199 = tpu.memref_slice %arg8[%mul3A_193] : memref<25600xi32, #tpu.memory_space<vmem>> -> memref<128xi32, #tpu.memory_space<vmem>>
        %dma_start3A_200 = arith.constant 0 : i32
        %dma_start3A_201 = arith.constant 0 : i32
        %dma_start3A_202 = tpu.memref_slice %arg4[%dma_start3A_200, %dma_start3A_201] : memref<100000x128xf32, #tpu.memory_space<hbm>> -> memref<100000x128xf32, #tpu.memory_space<hbm>>
        tpu.enqueue_indirect_dma source(%dma_start3A_202 : memref<100000x128xf32, #tpu.memory_space<hbm>>) target(%dma_start3A_198 : memref<128x128xf32, #tpu.memory_space<vmem>>) offsets(%dma_start3A_199 : memref<128xi32, #tpu.memory_space<vmem>>) semaphore(%arg16 : memref<!tpu.dma_semaphore, #tpu.memory_space<semaphore_mem>>)
      } else {
      }
      %le3A_172 = arith.constant 199 : i32
      %le3A_173 = arith.cmpi sle, %add3A_150, %le3A_172 : i32
      %convert_element_type3A_174 = arith.extui %le3A_173 : i1 to i32
      %cond3A_175 = arith.constant 0 : i32
      %cond3A_176 = arith.cmpi ne, %convert_element_type3A_174, %cond3A_175 : i32
      scf.if %cond3A_176 {
        %mul3A_177 = arith.constant 128 : i32
        %mul3A_178 = arith.muli %add3A_150, %mul3A_177 : i32
        %dma_wait3A_179 = arith.constant 3 : i32
        %dma_wait3A_180 = arith.constant 0 : i32
        %dma_wait3A_181 = arith.constant 0 : i32
        %dma_wait3A_182 = tpu.memref_slice %arg10[%dma_wait3A_179, %dma_wait3A_180, %dma_wait3A_181] : memref<4x128x128xf32, #tpu.memory_space<vmem>> -> memref<1x128x128xf32, #tpu.memory_space<vmem>>
        %dma_wait3A_183 = tpu.memref_squeeze %dma_wait3A_182 : memref<1x128x128xf32, #tpu.memory_space<vmem>> -> memref<128x128xf32, #tpu.memory_space<vmem>>
        %dma_wait3A_184 = tpu.memref_slice %arg8[%mul3A_178] : memref<25600xi32, #tpu.memory_space<vmem>> -> memref<128xi32, #tpu.memory_space<vmem>>
        %dma_wait3A_185 = arith.constant 0 : i32
        %dma_wait3A_186 = arith.constant 0 : i32
        %dma_wait3A_187 = tpu.memref_slice %arg4[%dma_wait3A_185, %dma_wait3A_186] : memref<100000x128xf32, #tpu.memory_space<hbm>> -> memref<100000x128xf32, #tpu.memory_space<hbm>>
        tpu.wait_indirect_dma semaphore(%arg19 : memref<!tpu.dma_semaphore, #tpu.memory_space<semaphore_mem>>) src(%dma_wait3A_187 : memref<100000x128xf32, #tpu.memory_space<hbm>>) dst(%dma_wait3A_183 : memref<128x128xf32, #tpu.memory_space<vmem>>)
        %mul3A_188 = arith.constant 128 : i32
        %mul3A_189 = arith.muli %add3A_150, %mul3A_188 : i32
        %dma_start3A_190 = arith.constant 3 : i32
        %dma_start3A_191 = arith.constant 0 : i32
        %dma_start3A_192 = arith.constant 0 : i32
        %dma_start3A_193 = tpu.memref_slice %arg10[%dma_start3A_190, %dma_start3A_191, %dma_start3A_192] : memref<4x128x128xf32, #tpu.memory_space<vmem>> -> memref<1x128x128xf32, #tpu.memory_space<vmem>>
        %dma_start3A_194 = tpu.memref_squeeze %dma_start3A_193 : memref<1x128x128xf32, #tpu.memory_space<vmem>> -> memref<128x128xf32, #tpu.memory_space<vmem>>
        %dma_start3A_195 = tpu.memref_slice %arg9[%mul3A_189] : memref<25600xi32, #tpu.memory_space<vmem>> -> memref<128xi32, #tpu.memory_space<vmem>>
        %dma_start3A_196 = arith.constant 0 : i32
        %dma_start3A_197 = arith.constant 0 : i32
        %dma_start3A_198 = tpu.memref_slice %arg13[%dma_start3A_196, %dma_start3A_197] : memref<600x128xf32, #tpu.memory_space<vmem_shared>> -> memref<600x128xf32, #tpu.memory_space<vmem_shared>>
        tpu.enqueue_indirect_dma source(%dma_start3A_198 : memref<600x128xf32, #tpu.memory_space<vmem_shared>>) target(%dma_start3A_194 : memref<128x128xf32, #tpu.memory_space<vmem>>) offsets(%dma_start3A_195 : memref<128xi32, #tpu.memory_space<vmem>>) semaphore(%arg23 : memref<!tpu.dma_semaphore, #tpu.memory_space<semaphore_mem>>) {add = true}
      } else {
      }
    }
    %scan3A_59 = arith.constant 51 : i32
    return
  }
}

</mosaic_0001>

<sc_bundles>
// kernel: kernel.3.cloned.1.call-start
scs
__scs_entry_jumppad:
0x0: {  	(pc) =	sbr.rel $0x88, $3  }
0x1: {  	(tag) =	ssettag $0x0;
	lr =	simm.s32 $0x1  }
0x2: {  	[smem:$0x3F9C] =	sst lr;
	_ =	strace $0xD0000000  }
0x3: {  	_ = 	snop  }
0x4: {  	_ = 	snop  }
0x5: {  	_ = 	snop  }
0x6: {  	_ = 	snop  }
0x7: {  	_ = 	snop  }
__scs_overlays_trampoline_lowered:
0x8: {  	[smem:$0x3FAB] =	sst s0  }
0x9: {  	[smem:$0x3FAC] =	sst s1  }
0xa: {  	[smem:$0x3FAD] =	sst s2  }
0xb: {  	[smem:$0x3FAE] =	sst s3  }
0xc: {  	[smem:$0x3FAF] =	sst s4  }
0xd: {  	[smem:$0x3FB0] =	sst s5  }
0xe: {  	[smem:$0x3FB1] =	sst s6  }
0xf: {  	[smem:$0x3FB2] =	sst s7  }
0x10: {  	[smem:$0x3FB3] =	sst s8  }
0x11: {  	[smem:$0x3FB4] =	sst s9;
	s0 =	simm.s32 @!p0 $0x0  }
0x12: {  	s1 =	sld [smem:$0x3F9A];
	s0 =	simm.s32 @p0 $0x1  }
0x13: {  	[smem:$0x3FB5] =	sst s0;
	s0 =	simm.s32 @!p1 $0x0  }
0x14: {  	s2 =	sld [smem:$0x3F99];
	s0 =	simm.s32 @p1 $0x1  }
0x15: {  	[smem:$0x3FB6] =	sst s0;
	s0 =	simm.s32 @!p2 $0x0  }
0x16: {  	s3 =	sld [smem:$0x3FDB];
	s0 =	simm.s32 @p2 $0x1  }
0x17: {  	s4 =	simm.s32 $0x1BF5;
	[smem:$0x3FB8] =	sst s0  }
0x18: {  	s0 =	sld [smem:$0x3F9B];
	_ =	swait.ge [sflag:s4], $0x0  }
0x19: {  	s7 =	sld [smem:$0x3F9C]  }
0x1a: {  	s8 =	sadd.s32 $0xFFFFE003, lr  }
0x1b: {  	s9 =	sadd.s32 $0xFFFFFEF7, lr;
	s5 =	simm.s32 $0xFFFFFFFF;
	p2 =	slt.u32 s8, $0xFFFFF086  }
0x1c: {  	p1 =	slt.u32 s9, $0xF7A;
	s5 =	simm.s32 @!p2 $0x0  }
0x1d: {  	s5 =	simm.s32 @p1 $0x1;
	p0 =	seq.s32 s7, s2  }
0x1e: {  	s7 =	smul.u32 @!p0 $0xF7A, s2;
	p2 =	seq.s32 @!p0 s5, $0x0  }
0x1f: {  	s9 =	smul.u32 $0xF7A, s1;
	s8 =	simm.s32 @!p0 $0x1BF5;
	p2 =	por !p2, p0  }
0x20: {  	[sflag:s8] =	ssyncset.s32 @!p0 $0xFFFFF086;
	s6 =	sadd.s32 @!p0 s3, s7;
	s7 =	simm.s32 @!p0 $0x108  }
0x21: {  	s3 =	sadd.s32 s3, s9;
	s6 =	sadd.s32 @!p0 $0x88, s6;
	s7 =	simm.s32 @p2 $0x1082  }
0x22: {  	[simem:s7], [sflag:s8] =	dma.local @!p0 [hbm:s6], $0xF7A  }
0x23: {  	s9 =	sor.u32 $0xD0000000, s2;
	s6 =	simm.s32 $0x108;
	_ =	swait.ge @!p0 [sflag:s8], $0x0  }
0x24: {  	s3 =	sadd.s32 $0x88, s3;
	s6 =	simm.s32 @!p1 $0x1082;
	[sflag:s4] =	ssyncset.s32 $0xFFFFF086  }
0x25: {  	[simem:s6], [sflag:s4] =	dma.local [hbm:s3], $0xF7A  }
0x26: {  	[smem:$0x3F9C] =	sst s1;
	(tag) =	ssettag s2;
	_ =	strace s9  }
0x27: {  	s1 =	sld [smem:$0x3FAC]  }
0x28: {  	s2 =	sld [smem:$0x3FAD]  }
0x29: {  	s4 =	sld [smem:$0x3FAF]  }
0x2a: {  	p0 =	seq.s32 s5, $0x0;
	s5 =	sld [smem:$0x3FB0]  }
0x2b: {  	s6 =	sld [smem:$0x3FB1]  }
0x2c: {  	s7 =	sld [smem:$0x3FB2]  }
0x2d: {  	s3 =	simm.s32 $0x108;
	s8 =	sld [smem:$0x3FB3]  }
0x2e: {  	s3 =	simm.s32 @!p0 $0x1082;
	s9 =	sld [smem:$0x3FB4]  }
0x2f: {  	lr =	sadd.s32 s0, s3;
	s0 =	sld [smem:$0x3FAB]  }
0x30: {  	s3 =	sld [smem:$0x3FAE]  }
0x31: {  	[smem:$0x3FB7] =	sst s10  }
0x32: {  	s10 =	sld [smem:$0x3FB5];
	_ =	sdelay $0x3  }
0x33: {  	p0 =	seq.s32 s10, $0x1;
	s10 =	sld [smem:$0x3FB7];
	_ =	sdelay $0x3  }
0x34: {  	[smem:$0x3FB7] =	sst s10  }
0x35: {  	s10 =	sld [smem:$0x3FB6];
	_ =	sdelay $0x3  }
0x36: {  	p1 =	seq.s32 s10, $0x1;
	s10 =	sld [smem:$0x3FB7];
	_ =	sdelay $0x3  }
0x37: {  	[smem:$0x3FB7] =	sst s10  }
0x38: {  	s10 =	sld [smem:$0x3FB8]  }
0x39: {  	_ = 	snop;
	(pc) =	sbr.ind lr, $3  }
0x3a: {  	_ = 	snop  }
0x3b: {  	_ = 	snop  }
0x3c: {  	p2 =	seq.s32 s10, $0x1;
	s10 =	sld [smem:$0x3FB7]  }
0x3d: {  	_ =	shalt  }
0x3e: {  	_ =	shalt  }
0x3f: {  	_ =	shalt  }
0x40: {  	_ =	shalt  }
0x41: {  	_ =	shalt  }
0x42: {  	_ =	shalt  }
0x43: {  	_ =	shalt  }
0x44: {  	_ =	shalt  }
0x45: {  	_ =	shalt  }
0x46: {  	_ =	shalt  }
0x47: {  	_ =	shalt  }
0x48: {  	_ =	shalt  }
0x49: {  	_ =	shalt  }
0x4a: {  	_ =	shalt  }
0x4b: {  	_ =	shalt  }
0x4c: {  	_ =	shalt  }
0x4d: {  	_ =	shalt  }
0x4e: {  	_ =	shalt  }
0x4f: {  	_ =	shalt  }
0x50: {  	_ =	shalt  }
0x51: {  	_ =	shalt  }
0x52: {  	_ =	shalt  }
0x53: {  	_ =	shalt  }
0x54: {  	_ =	shalt  }
0x55: {  	_ =	shalt  }
0x56: {  	_ =	shalt  }
0x57: {  	_ =	shalt  }
0x58: {  	_ =	shalt  }
0x59: {  	_ =	shalt  }
0x5a: {  	_ =	shalt  }
0x5b: {  	_ =	shalt  }
0x5c: {  	_ =	shalt  }
0x5d: {  	_ =	shalt  }
0x5e: {  	_ =	shalt  }
0x5f: {  	_ =	shalt  }
0x60: {  	_ =	shalt  }
0x61: {  	_ =	shalt  }
0x62: {  	_ =	shalt  }
0x63: {  	_ =	shalt  }
0x64: {  	_ =	shalt  }
0x65: {  	_ =	shalt  }
0x66: {  	_ =	shalt  }
0x67: {  	_ =	shalt  }
0x68: {  	_ =	shalt  }
0x69: {  	_ =	shalt  }
0x6a: {  	_ =	shalt  }
0x6b: {  	_ =	shalt  }
0x6c: {  	_ =	shalt  }
0x6d: {  	_ =	shalt  }
0x6e: {  	_ =	shalt  }
0x6f: {  	_ =	shalt  }
0x70: {  	_ =	shalt  }
0x71: {  	_ =	shalt  }
0x72: {  	_ =	shalt  }
0x73: {  	_ =	shalt  }
0x74: {  	_ =	shalt  }
0x75: {  	_ =	shalt  }
0x76: {  	_ =	shalt  }
0x77: {  	_ =	shalt  }
0x78: {  	_ =	shalt  }
0x79: {  	_ =	shalt  }
0x7a: {  	_ =	shalt  }
0x7b: {  	_ =	shalt  }
0x7c: {  	_ =	shalt  }
0x7d: {  	_ =	shalt  }
0x7e: {  	_ =	shalt  }
0x7f: {  	_ =	shalt  }
0x80: {  	_ =	shalt  }
0x81: {  	_ =	shalt  }
0x82: {  	_ =	shalt  }
0x83: {  	_ =	shalt  }
0x84: {  	_ =	shalt  }
0x85: {  	_ =	shalt  }
0x86: {  	_ =	shalt  }
0x87: {  	_ =	shalt  }
.Lfunc_end0:
.L_simem_size_0:
called_computation_lowered:
.L_overlay_start_0:
0x88: {  	s2 =	sld [smem:$0x3FD9]  }
0x89: {  	s3 =	sld [smem:$0x3FFE];
	_ =	sdelay $0x1  }
0x8a: {  	s1 =	srdreg.scid  }
0x8b: {  	s0 =	sand.u32 $0x1, s1  }
0x8c: {  	s17 =	sshll.u32 s0, $0xA;
	s2 =	sadd.s32 s3, s2  }
0x8d: {  	s2 =	sadd.s32 s2, s17  }
0x8e: {  	[smem:$0x3FC3] =	sst s2  }
0x8f: {  	_ = 	snop  }
0x90: {  	s2 =	sld [smem:$0x3FC7]  }
0x91: {  	s18 =	sld [smem:$0x3FC6]  }
0x92: {  	s4 =	sld [smem:$0x3FC5]  }
0x93: {  	s5 =	sld [smem:$0x3FD0];
	(tm) =	ssettm $0x1  }
0x94: {  	s6 =	sld [smem:$0x3FFB];
	_ =	sdelay $0x3  }
0x95: {  	_ =	strace s6  }
0x96: {  	s6 =	sld [smem:$0x3FFC];
	_ =	sdelay $0x3  }
0x97: {  	_ =	strace s6  }
0x98: {  	s6 =	sld [smem:$0x3FFD];
	_ =	sdelay $0x3  }
0x99: {  	_ =	strace s6  }
0x9a: {  	_ =	strace $0x8FFFFFFF  }
0x9b: {  	s19 =	sld [smem:$0x3FDB];
	_ =	sdelay $0x1  }
0x9c: {  	s7 =	simm.s32 $_scs_section_size  }
0x9d: {  	s8 =	simm.s32 $_size__tile_overlayer_lowered;
	s9 =	simm.s32 $_tile_overlayer_lowered  }
0x9e: {  	s22 =	simm.s32 $0x1BFF;
	s21 =	sshll.u32 s9, $0x1;
	s6 =	sadd.s32 s7, s19  }
0x9f: {  	s10 =	simm.s32 $0x0;
	s20 =	sshll.u32 s8, $0x1;
	s8 =	sadd.s32 s21, s6  }
0xa0: {  	[timem:s10], [sflag:s22] =	dma.local [hbm:s8], s20  }
0xa1: {  	_ =	swait.ge [sflag:s22], s20  }
0xa2: {  	s7 =	ssub.s32 $0x0, s20;
	[sflag:s22] =	ssyncset.done $0x0  }
0xa3: {  	[sflag:s22] =	ssyncadd.s32 s7;
	_ =	sdelay $0x1  }
0xa4: {  	s23 =	simm.s32 $0x1B8B  }
0xa5: {  	_ =	swait.ge [sflag:s23], $0x1  }
0xa6: {  	[sflag:s23] =	ssyncset.done $0x0  }
0xa7: {  	s25 =	simm.s32 $0x1B8E;
	s24 =	sld [smem:$0x3FFE];
	[sflag:s23] =	ssyncadd.s32 $0xFFFFFFFF  }
0xa8: {  	s26 =	simm.s32 $execute0_lowered;
	[smem:$0x3FD2] =	sst s25  }
0xa9: {  	s8 =	sshll.u32 s26, $0x1;
	_ =	strace $0x80000046;
	[dreg:$0x1] =	wrdreg $0xFFFFFFFF  }
0xaa: {  	s28 =	simm.s32 $_size_execute0_lowered;
	s6 =	sadd.s32 s6, s8;
	[dreg:$0x0] =	wrdreg $0x0  }
0xab: {  	s8 =	sshll.u32 s28, $0x1;
	[dreg:$0x2] =	wrdreg s6  }
0xac: {  	[dreg:$0x3] =	wrdreg s8  }
0xad: {  	[dreg:$0x4] =	wrdreg $0xC0  }
0xae: {  	_ =	task [dreg:s10], $0x5FFFF  }
0xaf: {  	[dreg:$0x1] =	wrdreg $0xFFFFFFFF  }
0xb0: {  	[dreg:$0x0] =	wrdreg $0x60  }
0xb1: {  	[dreg:$0x2] =	wrdreg s24  }
0xb2: {  	[dreg:$0x3] =	wrdreg s2  }
0xb3: {  	[dreg:$0x4] =	wrdreg s18  }
0xb4: {  	[dreg:$0x5] =	wrdreg s4  }
0xb5: {  	[dreg:$0x6] =	wrdreg s5  }
0xb6: {  	[dreg:$0x7] =	wrdreg $0x1DE000  }
0xb7: {  	[dreg:$0x8] =	wrdreg $0x9  }
0xb8: {  	_ =	task.clear_ibuf [dreg:s10], $0x9FFFF;
	_ =	strace $0x90000046  }
0xb9: {  	s29 =	simm.s32 $0x9;
	_ =	strace $0x80000048  }
0xba: {  	_ =	swait.ge [sflag:s29], $0x1  }
0xbb: {  	[sflag:s29] =	ssyncadd.s32 $0xFFFFFFFF  }
0xbc: {  	_ =	strace $0x90000048  }
0xbd: {  	_ =	sfence  }
0xbe: {  	s30 =	sld [smem:$0x0];
	_ =	sdelay $0x2  }
0xbf: {  	s31 =	sshll.u32 s1, $0xD;
	s1 =	sshrl.u32 s1, $0x2  }
0xc0: {  	s3 =	sand.u32 $0x4000, s31;
	s1 =	sadd.s32 s1, s30  }
0xc1: {  	s0 =	sor.u32 s3, s0;
	s1 =	sshll.u32 s1, $0x11  }
0xc2: {  	s0 =	sor.u32 s1, s0  }
0xc3: {  	s0 =	sadd.s32 $0x8F2B, s0  }
0xc4: {  	[sflag:s0] =	ssyncadd.remote.s32 $0x1  }
0xc5: {  	_ =	sfence.sel $0xFFFF  }
0xc6: {  	[dreg:$0x0] =	wrdreg $0xFFFFFFFF;
	(pc) =	sbr.abs _section_cstart, $3  }
0xc7: {  	[dreg:$0x1] =	wrdreg $0xFFFFFFFF  }
0xc8: {  	_ =	task.clear_ibuf [dreg:s10], $0x2FFFF;
	_ =	strace $0x9FFFFFFF  }
0xc9: {  	(tm) =	ssettm $0x7FFFFFFF  }
tec
execute0_lowered:
.L_overlay_start_1:
0x0: {  	(tag) =	ssettag $0x1  }
0x1: {  	s0 =	rddreg [dreg:$0x0]  }
0x2: {  	s1 =	rddreg [dreg:$0x1]  }
0x3: {  	s3 =	rddreg [dreg:$0x2]  }
0x4: {  	s4 =	rddreg [dreg:$0x4]  }
0x5: {  	s13 =	stileid.u32;
	s5 =	rddreg [dreg:$0x5]  }
0x6: {  	s8 =	srdreg.scid;
	s2 =	smul.u32 $0x28, s13  }
0x7: {  	s28 =	simm.s32 $0x80;
	s29 =	simm.s32 $0x14800;
	s30 =	simm.s32 $0x18800  }
0x8: {  	s31 =	simm.s32 $0x5;
	s20 =	smul.u32 $0xC800, s13;
	s2 =	smin.u32 s2, $0x230  }
0x9: {  	s8 =	sand.u32 $0x1, s8;
	p0 =	seq.s32 s13, $0x0;
	s6 =	smul.u32 $0x5C29, s2  }
0xa: {  	s10 =	sshll.u32 s13, $0x1;
	s14 =	ssub.s32 $0x2, s8;
	s9 =	smul.u32 $0x148, s2  }
0xb: {  	s15 =	sshrl.u32 s14, $0x1;
	s7 =	sand.u32 $0xFFF8, s6;
	s6 =	simm.s32 $0x0  }
0xc: {  	s9 =	sshrl.u32 s9, $0x10;
	s7 =	sshrl.u32 s7, $0x3;
	[smem:$0x7FF] =	sst s6  }
0xd: {  	p1 =	sgt.u32 s7, $0x147;
	s7 =	sor.u32 s8, s10;
	s8 =	smul.u32 $0x6400, s8  }
0xe: {  	s10 =	simm.s32 $0x1;
	p0 =	por !p0, !p1;
	s11 =	smul.u32 $0x6400, s7  }
0xf: {  	_ =	strace $0x80000047;
	s19 =	smul.u32 $0x64000, s7;
	p0 =	por !p0, !p0  }
0x10: {  	s13 =	smul.u32 $0x320000, s7;
	s10 =	simm.s32 @!p0 $0x0;
	s11 =	sshrl.u32 s11, $0x3  }
0x11: {  	s23 =	sadd.s32 s4, s19;
	s9 =	ssub.s32 s9, s10;
	s0 =	sadd.s32 s11, s0  }
0x12: {  	s10 =	ssub.s32 s14, s15;
	s12 =	smul.u32 $0xFFFFFF38, s9;
	s16 =	sadd.s32 $0x600, s0  }
0x13: {  	s0 =	sadd.s32 $0x19600, s0;
	s21 =	sshll.u32 s9, $0x9;
	[dreg:$0x7] =	wrdreg s16  }
0x14: {  	s22 =	smax.u32 s10, $0x1;
	s10 =	simm.s32 $0xF;
	[dreg:$0x8] =	wrdreg s0  }
0x15: {  	s11 =	sshra.s32 s21, $0x2;
	s17 =	sadd.s32 s2, s12;
	s2 =	sshll.u32 s2, $0x7  }
0x16: {  	[dreg:$0xb] =	wrdreg s22;
	s18 =	sshll.u32 s17, $0x4;
	s2 =	sadd.s32 s2, s5  }
0x17: {  	s16 =	sadd.s32 $0xFFFFF800, s23;
	s0 =	sadd.s32 s3, s18;
	[dreg:$0xa] =	wrdreg s2  }
0x18: {  	s22 =	simm.s32 $0x3;
	[dreg:$0x9] =	wrdreg s0;
	s0 =	sadd.s32 s8, s20  }
.Ltmp0:
0x19: {  	s24 =	sor.u32 $0x80, s0;
	[dreg:$0xc] =	wrdreg s0;
	(pc) =	sbr.rel .LBB2_1-.Ltmp0, $4  }
0x1a: {  	s2 =	simm.s32 $0x9;
	s25 =	sor.u32 $0x100, s0;
	[dreg:$0xd] =	wrdreg s24  }
0x1b: {  	s3 =	simm.s32 $0x6;
	s26 =	sor.u32 $0x180, s0;
	[dreg:$0xe] =	wrdreg s25  }
0x1c: {  	s8 =	simm.s32 $0x0;
	s0 =	sor.u32 $0x200, s0;
	[dreg:$0xf] =	wrdreg s26  }
0x1d: {  	v0 =	vlaneseq.u32;
	[dreg:$0x10] =	wrdreg s0;
	s25 =	simm.s32 $0xC800;
	s0 =	simm.s32 $0xB  }
.LBB2_27:
0x1e: {  	s8 =	rddreg [dreg:$0x11]  }
0x1f: {  	s7 =	rddreg [dreg:$0xb];
	s8 =	sadd.s32 $0x1, s8  }
0x20: {  	p0 =	sne.s32 s8, s7  }
.Ltmp1:
0x21: {  	_ = 	snop;
	(pc) =	sbr.rel @!p0 .LBB2_28-.Ltmp1, $2  }
0x22: {  	_ =	sdelay $0x2  }
0x23: {  	s10 =	simm.s32 $0xF  }
.LBB2_1:
0x24: {  	[dreg:$0x11] =	wrdreg s8  }
0x25: {  	s7 =	rddreg [dreg:$0x7]  }
0x26: {  	[tilespmem:s6], [sflag:$0x1] =	stream.linear.gather [hbm4b:s7+s6], $0x6400, $0x38;
	[tilespmem:$0x1F0C0] =	vst v63  }
0x27: {  	s19 =	rddreg [dreg:$0x8];
	s20 =	simm.s32 $0x6400  }
0x28: {  	[tilespmem:s20], [sflag:$0x2] =	stream.linear.gather [hbm4b:s19+s6], $0x6400, $0x38;
	[tilespmem:$0x1F0C0] =	vst v63  }
0x29: {  	s21 =	rddreg [dreg:$0x9];
	s23 =	simm.s32 $0x1C800  }
0x2a: {  	[tilespmem:s23], [sflag:$0xF] =	stream.linear.gather [hbm4b:s21+s6], $0x1400, $0x38;
	[tilespmem:$0x1F0C0] =	vst v63  }
0x2b: {  	_ =	swait.ge [sflag:s10], $0x1400  }
0x2c: {  	[sflag:s10] =	ssyncset.done $0x0  }
0x2d: {  	[sflag:s10] =	ssyncadd.s32 $0xFFFFEC00  }
0x2e: {  	s26 =	simm.s32 $0x1DC00;
	s24 =	rddreg [dreg:$0x3]  }
0x2f: {  	[tilespmem:s26], [sflag:$0xF] =	stream.linear.gather [hbm4b:s24+s6], $0x180, $0x38;
	[tilespmem:$0x1F0C0] =	vst v63  }
0x30: {  	_ =	swait.ge [sflag:s10], $0x180  }
0x31: {  	[sflag:s10] =	ssyncset.done $0x0  }
0x32: {  	s7 =	simm.s32 $0x0;
	[sflag:s10] =	ssyncadd.s32 $0xFFFFFE80  }
0x33: {  	s8 =	simm.s32 $0x200;
	v1 =	vld [tilespmem:s7+$0x1C800]  }
.LBB2_2:
0x34: {  	p0 =	sne.s32 s8, $0x4E00;
	v2 =	vld [tilespmem:s11+$0x1DC00];
	_ =	sdelay $0x4  }
0x35: {  	v1 =	vadd.f32 v2, v1;
	_ =	sdelay $0x1  }
0x36: {  	[tilespmem:s7+$0xC800] =	vst v1;
	v1 =	vld [tilespmem:s7+$0x1C810]  }
0x37: {  	v2 =	vld [tilespmem:s11+$0x1DC10];
	_ =	sdelay $0x4  }
0x38: {  	v1 =	vadd.f32 v2, v1;
	_ =	sdelay $0x1  }
0x39: {  	[tilespmem:s7+$0xC810] =	vst v1;
	v1 =	vld [tilespmem:s7+$0x1C820]  }
0x3a: {  	v2 =	vld [tilespmem:s11+$0x1DC20];
	_ =	sdelay $0x4  }
0x3b: {  	v1 =	vadd.f32 v2, v1;
	_ =	sdelay $0x1  }
0x3c: {  	[tilespmem:s7+$0xC820] =	vst v1;
	v1 =	vld [tilespmem:s7+$0x1C830]  }
0x3d: {  	v2 =	vld [tilespmem:s11+$0x1DC30];
	_ =	sdelay $0x4  }
0x3e: {  	v1 =	vadd.f32 v2, v1;
	_ =	sdelay $0x1  }
0x3f: {  	[tilespmem:s7+$0xC830] =	vst v1;
	v1 =	vld [tilespmem:s7+$0x1C840]  }
0x40: {  	v2 =	vld [tilespmem:s11+$0x1DC40];
	_ =	sdelay $0x4  }
0x41: {  	v1 =	vadd.f32 v2, v1;
	_ =	sdelay $0x1  }
0x42: {  	[tilespmem:s7+$0xC840] =	vst v1;
	v1 =	vld [tilespmem:s7+$0x1C850]  }
0x43: {  	v2 =	vld [tilespmem:s11+$0x1DC50];
	_ =	sdelay $0x4  }
0x44: {  	v1 =	vadd.f32 v2, v1;
	_ =	sdelay $0x1  }
0x45: {  	[tilespmem:s7+$0xC850] =	vst v1;
	v1 =	vld [tilespmem:s7+$0x1C860]  }
0x46: {  	v2 =	vld [tilespmem:s11+$0x1DC60];
	_ =	sdelay $0x4  }
0x47: {  	v1 =	vadd.f32 v2, v1;
	_ =	sdelay $0x1  }
0x48: {  	[tilespmem:s7+$0xC860] =	vst v1;
	v1 =	vld [tilespmem:s7+$0x1C870]  }
0x49: {  	v2 =	vld [tilespmem:s11+$0x1DC70];
	_ =	sdelay $0x2  }
.Ltmp2:
0x4a: {  	(pc) =	sbr.rel @p0 .LBB2_2-.Ltmp2, $4  }
0x4b: {  	_ = 	snop  }
0x4c: {  	v2 =	vadd.f32 v2, v1  }
0x4d: {  	s9 =	sshra.s32 s8, $0x2  }
0x4e: {  	s8 =	sadd.s32 $0x200, s8;
	v1 =	vld [tilespmem:s9+$0x1C800];
	[tilespmem:s7+$0xC870] =	vst v2;
	s7 =	smov.u32 s9  }
0x4f: {  	v2 =	vld [tilespmem:s11+$0x1DC00];
	_ =	sdelay $0x4  }
0x50: {  	v1 =	vadd.f32 v2, v1;
	_ =	sdelay $0x1  }
0x51: {  	[tilespmem:s7+$0xC800] =	vst v1;
	v1 =	vld [tilespmem:s7+$0x1C810]  }
0x52: {  	v2 =	vld [tilespmem:s11+$0x1DC10];
	_ =	sdelay $0x4  }
0x53: {  	v1 =	vadd.f32 v2, v1;
	_ =	sdelay $0x1  }
0x54: {  	[tilespmem:s7+$0xC810] =	vst v1;
	v1 =	vld [tilespmem:s7+$0x1C820]  }
0x55: {  	v2 =	vld [tilespmem:s11+$0x1DC20];
	_ =	sdelay $0x4  }
0x56: {  	v1 =	vadd.f32 v2, v1;
	_ =	sdelay $0x1  }
0x57: {  	[tilespmem:s7+$0xC820] =	vst v1;
	v1 =	vld [tilespmem:s7+$0x1C830]  }
0x58: {  	v2 =	vld [tilespmem:s11+$0x1DC30];
	_ =	sdelay $0x4  }
0x59: {  	v1 =	vadd.f32 v2, v1;
	_ =	sdelay $0x1  }
0x5a: {  	[tilespmem:s7+$0xC830] =	vst v1;
	v1 =	vld [tilespmem:s7+$0x1C840]  }
0x5b: {  	v2 =	vld [tilespmem:s11+$0x1DC40];
	_ =	sdelay $0x4  }
0x5c: {  	v1 =	vadd.f32 v2, v1;
	_ =	sdelay $0x1  }
0x5d: {  	[tilespmem:s7+$0xC840] =	vst v1;
	v1 =	vld [tilespmem:s7+$0x1C850]  }
0x5e: {  	v2 =	vld [tilespmem:s11+$0x1DC50];
	_ =	sdelay $0x4  }
0x5f: {  	v1 =	vadd.f32 v2, v1;
	_ =	sdelay $0x1  }
0x60: {  	[tilespmem:s7+$0xC850] =	vst v1;
	v1 =	vld [tilespmem:s7+$0x1C860]  }
0x61: {  	v2 =	vld [tilespmem:s11+$0x1DC60];
	_ =	sdelay $0x4  }
0x62: {  	v1 =	vadd.f32 v2, v1;
	_ =	sdelay $0x1  }
0x63: {  	[tilespmem:s7+$0xC860] =	vst v1;
	v1 =	vld [tilespmem:s7+$0x1C870]  }
0x64: {  	v2 =	vld [tilespmem:s11+$0x1DC70];
	_ =	sdelay $0x4  }
0x65: {  	v1 =	vadd.f32 v2, v1;
	_ =	sdelay $0x1  }
0x66: {  	s23 =	rddreg [dreg:$0xa];
	[tilespmem:s7+$0xC870] =	vst v1  }
0x67: {  	[spmem:s23] =	stream.linear.scatter [tilespmem:s25], [sflag:$0xF], $0x1400, $0x38;
	[tilespmem:$0x1F0C0] =	vst v63  }
0x68: {  	_ =	swait.ge [sflag:s10], $0x1400  }
0x69: {  	[sflag:s10] =	ssyncset.done $0x0  }
0x6a: {  	[sflag:s10] =	ssyncadd.s32 $0xFFFFEC00  }
0x6b: {  	s24 =	simm.s32 $0x1;
	[bflag:$0x0] =	sbarrier.arrive $0xFFFF  }
0x6c: {  	_ =	swait.ge [sflag:s24], $0x6400  }
0x6d: {  	[sflag:s24] =	ssyncset.done $0x0  }
0x6e: {  	s26 =	simm.s32 $0x2;
	[sflag:s24] =	ssyncadd.s32 $0xFFFF9C00  }
0x6f: {  	_ =	swait.ge [sflag:s26], $0x6400  }
0x70: {  	s9 =	simm.s32 $0x40;
	[sflag:s26] =	ssyncset.done $0x0  }
0x71: {  	s7 =	simm.s32 $0x0;
	s8 =	rddreg [dreg:$0xc];
	[sflag:s26] =	ssyncadd.s32 $0xFFFF9C00  }
.LBB2_4:
0x72: {  	p0 =	sne.s32 s9, $0x1C0;
	v1 =	vor.u32 s8, v0;
	v2 =	vld [tilespmem:s7+$0x6400]  }
0x73: {  	v3 =	vmulhi.u32 $0x51EB851F, v1;
	_ =	sdelay $0x1  }
0x74: {  	v3 =	vshrl.u32 v3, $0x6  }
.Ltmp3:
0x75: {  	v3 =	vmul.u32 $0xC8, v3;
	(pc) =	sbr.rel @p0 .LBB2_4-.Ltmp3, $4  }
0x76: {  	v2 =	vmul.u32 $0xC8, v2  }
0x77: {  	v1 =	vsub.s32 v1, v3  }
0x78: {  	v1 =	vadd.s32 v1, v2  }
0x79: {  	s8 =	sadd.s32 $0x10, s8;
	[tilespmem:s7+$0x6400] =	vst v1;
	s7 =	sshra.s32 s9, $0x2;
	s9 =	sadd.s32 $0x40, s9  }
0x7a: {  	v1 =	vor.u32 s8, v0;
	v2 =	vld [tilespmem:s7+$0x6400]  }
0x7b: {  	v3 =	vmulhi.u32 $0x51EB851F, v1;
	_ =	sdelay $0x1  }
0x7c: {  	v3 =	vshrl.u32 v3, $0x6  }
0x7d: {  	v3 =	vmul.u32 $0xC8, v3  }
.Ltmp4:
0x7e: {  	s20 =	rddreg [dreg:$0x10];
	v2 =	vmul.u32 $0xC8, v2;
	(pc) =	sbr.rel .LBB2_6-.Ltmp4, $4  }
0x7f: {  	s8 =	simm.s32 $0x6480;
	s19 =	rddreg [dreg:$0xf];
	v1 =	vsub.s32 v1, v3  }
0x80: {  	s10 =	simm.s32 $0x6500;
	s12 =	simm.s32 $0x6580;
	s18 =	rddreg [dreg:$0xe];
	v1 =	vadd.s32 v1, v2  }
0x81: {  	s14 =	simm.s32 $0x6600;
	s21 =	rddreg [dreg:$0xd];
	[tilespmem:s7+$0x6400] =	vst v1;
	s7 =	simm.s32 $0x0  }
0x82: {  	[tilespmem:s25], [sflag:$0x3] =	stream.indirect.gather [hbm4b:s1+s28], $0x80, s7, s28, $0xb8;
	[tilespmem:$0x1F0C0] =	vst v63  }
.LBB2_26:
0x83: {  	_ =	swait.ge [sflag:s3], $0x4000;
	s9 =	sshll.u32 s9, $0x7;
	s7 =	sadd.s32 $0x1, s7  }
0x84: {  	s21 =	sadd.s32 $0x200, s21;
	s8 =	sadd.s32 $0x200, s8;
	s18 =	sadd.s32 $0x200, s18  }
0x85: {  	s10 =	sadd.s32 $0x200, s10;
	s19 =	sadd.s32 $0x200, s19;
	s12 =	sadd.s32 $0x200, s12  }
0x86: {  	s20 =	sadd.s32 $0x200, s20;
	[sflag:s3] =	ssyncset.done $0x0;
	s9 =	sand.u32 $0x3FFFFF80, s9  }
0x87: {  	s14 =	sadd.s32 $0x200, s14;
	[sflag:s3] =	ssyncadd.s32 $0xFFFFC000;
	s9 =	sadd.s32 $0x6400, s9  }
0x88: {  	[tilespmem:s30], [sflag:$0xA] =	stream.indirect.gather.add.f32 [spmem:s5], $0x80, s9, s28, $0xb8;
	[tilespmem:$0x1F0C0] =	vst v63  }
.LBB2_6:
0x89: {  	s15 =	sshll.u32 s7, $0x2  }
0x8a: {  	s9 =	sadd.s32 $0xFFFFFFFC, s15  }
0x8b: {  	p1 =	sgt.u32 s9, $0xC7  }
0x8c: {  	s9 =	simm.s32 @!p1 $0xA  }
0x8d: {  	_ =	swait.ge @!p1 [sflag:s9], $0x4000  }
0x8e: {  	[sflag:s9] =	ssyncset.done @!p1 $0x0  }
0x8f: {  	p0 =	seq.s32 s7, $0x32;
	[sflag:s9] =	ssyncadd.s32 @!p1 $0xFFFFC000;
	s9 =	sshll.u32 @!p1 s7, $0xD  }
0x90: {  	s17 =	simm.s32 @!p1 $0x0;
	s23 =	simm.s32 @!p1 $0x18800;
	s9 =	sadd.s32 @!p1 s16, s9  }
0x91: {  	[hbm4b:s9+s17] =	stream.linear.scatter @!p1 [tilespmem:s23], [sflag:$0xE], $0x4000, $0x38;
	[tilespmem:$0x1F0C0] =	vst v63  }
.Ltmp5:
0x92: {  	_ = 	snop;
	(pc) =	sbr.rel @p0 .LBB2_10-.Ltmp5, $4  }
0x93: {  	s9 =	simm.s32 @!p1 $0xC  }
0x94: {  	_ =	swait.ge @!p1 [sflag:s9], $0x4000  }
0x95: {  	[sflag:s9] =	ssyncset.done @!p1 $0x0  }
0x96: {  	[sflag:s9] =	ssyncadd.s32 @!p1 $0xFFFFC000;
	s9 =	simm.s32 $0xC9  }
0x97: {  	v1 =	vmov s8;
	_ =	sdelay $0x3  }
0x98: {  	s17 =	simm.s32 $0x0  }
0x99: {  	v3 =	vor.u32 s21, v0;
	v2 =	vld.idx.msk [tilespmem:v1+s17+$0x0 ss:$0x1], $0xffff  }
0x9a: {  	v4 =	vmulhi.u32 $0x51EB851F, v3;
	_ =	sdelay $0x1  }
0x9b: {  	v4 =	vshrl.u32 v4, $0x6  }
0x9c: {  	v4 =	vmul.u32 $0xC8, v4  }
0x9d: {  	v2 =	vmul.u32 $0xC8, v2  }
0x9e: {  	v3 =	vsub.s32 v3, v4  }
0x9f: {  	s9 =	sshll.u32 s7, $0x9;
	s23 =	simm.s32 $0x10;
	v2 =	vadd.s32 v3, v2  }
0xa0: {  	s24 =	simm.s32 $0x80;
	s26 =	sor.u32 $0x80, s9;
	[tilespmem:v1+s17+$0x0 ss:$0x1] =	vst.idx.msk $0xffff, v2;
	s17 =	smov.u32 s21  }
.LBB2_8:
0xa1: {  	p1 =	sne.s32 s24, $0x1C0;
	v2 =	vld.idx.msk [tilespmem:v1+s23+$0x0 ss:$0x1], $0xffff;
	s17 =	sadd.s32 $0x10, s17  }
0xa2: {  	v3 =	vor.u32 s17, v0  }
0xa3: {  	v4 =	vmulhi.u32 $0x51EB851F, v3;
	_ =	sdelay $0x1  }
0xa4: {  	v4 =	vshrl.u32 v4, $0x6  }
.Ltmp6:
0xa5: {  	v4 =	vmul.u32 $0xC8, v4;
	(pc) =	sbr.rel @p1 .LBB2_8-.Ltmp6, $4  }
0xa6: {  	v2 =	vmul.u32 $0xC8, v2  }
0xa7: {  	v3 =	vsub.s32 v3, v4  }
0xa8: {  	v2 =	vadd.s32 v3, v2  }
0xa9: {  	[tilespmem:v1+s23+$0x0 ss:$0x1] =	vst.idx.msk $0xffff, v2;
	s23 =	sshra.s32 s24, $0x2;
	s24 =	sadd.s32 $0x40, s24  }
0xaa: {  	_ =	sdelay $0x2  }
0xab: {  	s17 =	sadd.s32 $0x10, s17  }
0xac: {  	v2 =	vld.idx.msk [tilespmem:v1+s23+$0x0 ss:$0x1], $0xffff;
	v3 =	vor.u32 s17, v0  }
0xad: {  	v4 =	vmulhi.u32 $0x51EB851F, v3;
	_ =	sdelay $0x1  }
0xae: {  	v4 =	vshrl.u32 v4, $0x6  }
0xaf: {  	v4 =	vmul.u32 $0xC8, v4  }
0xb0: {  	v2 =	vmul.u32 $0xC8, v2  }
0xb1: {  	v3 =	vsub.s32 v3, v4  }
0xb2: {  	v2 =	vadd.s32 v3, v2  }
0xb3: {  	s24 =	simm.s32 $0x10800;
	[tilespmem:v1+s23+$0x0 ss:$0x1] =	vst.idx.msk $0xffff, v2  }
0xb4: {  	[tilespmem:s24], [sflag:$0x4] =	stream.indirect.gather [hbm4b:s1+s28], $0x80, s26, s28, $0xb8;
	[tilespmem:$0x1F0C0] =	vst v63  }
0xb5: {  	_ =	swait.ge [sflag:s22], $0x4000  }
0xb6: {  	s9 =	sand.u32 $0x3FFFFE00, s9;
	[sflag:s22] =	ssyncset.done $0x0  }
0xb7: {  	s9 =	sadd.s32 $0x6400, s9;
	[sflag:s22] =	ssyncadd.s32 $0xFFFFC000  }
0xb8: {  	[tilespmem:s25], [sflag:$0x7] =	stream.indirect.gather.add.f32 [spmem:s5], $0x80, s9, s28, $0xb8;
	[tilespmem:$0x1F0C0] =	vst v63  }
0xb9: {  	s9 =	sor.u32 $0x1, s15  }
0xba: {  	p1 =	sgt.u32 s9, $0xC8  }
0xbb: {  	s17 =	simm.s32 @!p1 $0x7  }
0xbc: {  	s23 =	sshll.u32 @!p1 s7, $0x10;
	_ =	swait.ge @!p1 [sflag:s17], $0x4000  }
0xbd: {  	s23 =	sadd.s32 @!p1 s13, s23;
	[sflag:s17] =	ssyncset.done @!p1 $0x0  }
0xbe: {  	[sflag:s17] =	ssyncadd.s32 @!p1 $0xFFFFC000;
	s17 =	sshrl.u32 @!p1 s23, $0x3  }
0xbf: {  	s24 =	simm.s32 @!p1 $0xC800;
	s23 =	simm.s32 @!p1 $0x0;
	s17 =	sadd.s32 @!p1 s4, s17  }
0xc0: {  	[hbm4b:s17+s23] =	stream.linear.scatter @!p1 [tilespmem:s24], [sflag:$0xB], $0x4000, $0x38;
	[tilespmem:$0x1F0C0] =	vst v63  }
.LBB2_10:
0xc1: {  	p1 =	seq.s32 s7, $0x0  }
0xc2: {  	p3 =	sgt.u32 s9, $0xC6;
	p2 =	sgt.u32 @!p1 s9, $0xCA  }
.Ltmp7:
0xc3: {  	p2 =	por p2, p1;
	(pc) =	sbr.rel @p3 .LBB2_14-.Ltmp7, $4  }
0xc4: {  	s17 =	simm.s32 @!p2 $0xD  }
0xc5: {  	_ =	swait.ge @!p2 [sflag:s17], $0x4000  }
0xc6: {  	[sflag:s17] =	ssyncset.done @!p2 $0x0  }
0xc7: {  	[sflag:s17] =	ssyncadd.s32 @!p2 $0xFFFFC000  }
0xc8: {  	v1 =	vmov s10;
	_ =	sdelay $0x3  }
0xc9: {  	s17 =	simm.s32 $0x0  }
0xca: {  	v3 =	vor.u32 s18, v0;
	v2 =	vld.idx.msk [tilespmem:v1+s17+$0x0 ss:$0x1], $0xffff  }
0xcb: {  	v4 =	vmulhi.u32 $0x51EB851F, v3;
	_ =	sdelay $0x1  }
0xcc: {  	v4 =	vshrl.u32 v4, $0x6  }
0xcd: {  	v4 =	vmul.u32 $0xC8, v4  }
0xce: {  	v2 =	vmul.u32 $0xC8, v2  }
0xcf: {  	v3 =	vsub.s32 v3, v4  }
0xd0: {  	s23 =	sshll.u32 s7, $0x9;
	s24 =	simm.s32 $0x80;
	v2 =	vadd.s32 v3, v2  }
0xd1: {  	s26 =	sor.u32 $0x100, s23;
	s23 =	simm.s32 $0x10;
	[tilespmem:v1+s17+$0x0 ss:$0x1] =	vst.idx.msk $0xffff, v2;
	s17 =	smov.u32 s18  }
.LBB2_12:
0xd2: {  	p2 =	sne.s32 s24, $0x1C0;
	v2 =	vld.idx.msk [tilespmem:v1+s23+$0x0 ss:$0x1], $0xffff;
	s17 =	sadd.s32 $0x10, s17  }
0xd3: {  	v3 =	vor.u32 s17, v0  }
0xd4: {  	v4 =	vmulhi.u32 $0x51EB851F, v3;
	_ =	sdelay $0x1  }
0xd5: {  	v4 =	vshrl.u32 v4, $0x6  }
.Ltmp8:
0xd6: {  	v4 =	vmul.u32 $0xC8, v4;
	(pc) =	sbr.rel @p2 .LBB2_12-.Ltmp8, $4  }
0xd7: {  	v2 =	vmul.u32 $0xC8, v2  }
0xd8: {  	v3 =	vsub.s32 v3, v4  }
0xd9: {  	v2 =	vadd.s32 v3, v2  }
0xda: {  	[tilespmem:v1+s23+$0x0 ss:$0x1] =	vst.idx.msk $0xffff, v2;
	s23 =	sshra.s32 s24, $0x2;
	s24 =	sadd.s32 $0x40, s24  }
0xdb: {  	_ =	sdelay $0x2  }
0xdc: {  	s17 =	sadd.s32 $0x10, s17  }
0xdd: {  	v2 =	vld.idx.msk [tilespmem:v1+s23+$0x0 ss:$0x1], $0xffff;
	v3 =	vor.u32 s17, v0  }
0xde: {  	v4 =	vmulhi.u32 $0x51EB851F, v3;
	_ =	sdelay $0x1  }
0xdf: {  	v4 =	vshrl.u32 v4, $0x6  }
0xe0: {  	v4 =	vmul.u32 $0xC8, v4  }
0xe1: {  	v2 =	vmul.u32 $0xC8, v2  }
0xe2: {  	v3 =	vsub.s32 v3, v4  }
0xe3: {  	v2 =	vadd.s32 v3, v2  }
0xe4: {  	[tilespmem:v1+s23+$0x0 ss:$0x1] =	vst.idx.msk $0xffff, v2  }
0xe5: {  	[tilespmem:s29], [sflag:$0x5] =	stream.indirect.gather [hbm4b:s1+s28], $0x80, s26, s28, $0xb8;
	[tilespmem:$0x1F0C0] =	vst v63  }
.LBB2_14:
0xe6: {  	s17 =	simm.s32 @!p0 $0x4  }
0xe7: {  	s23 =	sshll.u32 @!p0 s9, $0x7;
	_ =	swait.ge @!p0 [sflag:s17], $0x4000  }
0xe8: {  	s24 =	simm.s32 @!p0 $0x10800;
	s26 =	sor.u32 @!p0 $0x2, s15;
	[sflag:s17] =	ssyncset.done @!p0 $0x0  }
0xe9: {  	p2 =	sgt.u32 @!p0 s26, $0xC8;
	[sflag:s17] =	ssyncadd.s32 @!p0 $0xFFFFC000;
	s17 =	sand.u32 @!p0 $0x3FFFFF80, s23  }
0xea: {  	p2 =	por p2, p0;
	s23 =	simm.s32 @!p0 $0x80;
	s17 =	sadd.s32 @!p0 $0x6400, s17  }
0xeb: {  	[tilespmem:s24], [sflag:$0x8] =	stream.indirect.gather.add.f32 @!p0 [spmem:s5], $0x80, s17, s23, $0xb8;
	[tilespmem:$0x1F0C0] =	vst v63  }
0xec: {  	s9 =	sshll.u32 @!p2 s9, $0xE;
	s17 =	simm.s32 @!p2 $0x8  }
0xed: {  	s26 =	simm.s32 @p0 $0xCA;
	s9 =	sadd.s32 @!p2 s13, s9;
	_ =	swait.ge @!p2 [sflag:s17], $0x4000  }
0xee: {  	s9 =	sshrl.u32 @!p2 s9, $0x3;
	s23 =	simm.s32 @!p2 $0x10800;
	[sflag:s17] =	ssyncset.done @!p2 $0x0  }
0xef: {  	s9 =	sadd.s32 @!p2 s4, s9;
	[sflag:s17] =	ssyncadd.s32 @!p2 $0xFFFFC000;
	s17 =	simm.s32 @!p2 $0x0  }
0xf0: {  	[hbm4b:s9+s17] =	stream.linear.scatter @!p2 [tilespmem:s23], [sflag:$0xC], $0x4000, $0x38;
	[tilespmem:$0x1F0C0] =	vst v63  }
0xf1: {  	p2 =	sgt.u32 @!p1 s26, $0xCA  }
0xf2: {  	p1 =	por p2, p1;
	p2 =	sgt.u32 s26, $0xC6  }
.Ltmp9:
0xf3: {  	_ = 	snop;
	(pc) =	sbr.rel @p2 .LBB2_18-.Ltmp9, $4  }
0xf4: {  	s9 =	simm.s32 @!p1 $0xE  }
0xf5: {  	_ =	swait.ge @!p1 [sflag:s9], $0x4000  }
0xf6: {  	[sflag:s9] =	ssyncset.done @!p1 $0x0  }
0xf7: {  	[sflag:s9] =	ssyncadd.s32 @!p1 $0xFFFFC000  }
0xf8: {  	v1 =	vmov s12;
	_ =	sdelay $0x3  }
0xf9: {  	s17 =	simm.s32 $0x0  }
0xfa: {  	v3 =	vor.u32 s19, v0;
	v2 =	vld.idx.msk [tilespmem:v1+s17+$0x0 ss:$0x1], $0xffff  }
0xfb: {  	v4 =	vmulhi.u32 $0x51EB851F, v3;
	_ =	sdelay $0x1  }
0xfc: {  	v4 =	vshrl.u32 v4, $0x6  }
0xfd: {  	v4 =	vmul.u32 $0xC8, v4  }
0xfe: {  	v2 =	vmul.u32 $0xC8, v2  }
0xff: {  	v3 =	vsub.s32 v3, v4  }
0x100: {  	s9 =	sshll.u32 s7, $0x9;
	s23 =	simm.s32 $0x10;
	v2 =	vadd.s32 v3, v2  }
0x101: {  	s24 =	simm.s32 $0x80;
	s9 =	sor.u32 $0x180, s9;
	[tilespmem:v1+s17+$0x0 ss:$0x1] =	vst.idx.msk $0xffff, v2;
	s17 =	smov.u32 s19  }
.LBB2_16:
0x102: {  	p1 =	sne.s32 s24, $0x1C0;
	v2 =	vld.idx.msk [tilespmem:v1+s23+$0x0 ss:$0x1], $0xffff;
	s17 =	sadd.s32 $0x10, s17  }
0x103: {  	v3 =	vor.u32 s17, v0  }
0x104: {  	v4 =	vmulhi.u32 $0x51EB851F, v3;
	_ =	sdelay $0x1  }
0x105: {  	v4 =	vshrl.u32 v4, $0x6  }
.Ltmp10:
0x106: {  	v4 =	vmul.u32 $0xC8, v4;
	(pc) =	sbr.rel @p1 .LBB2_16-.Ltmp10, $4  }
0x107: {  	v2 =	vmul.u32 $0xC8, v2  }
0x108: {  	v3 =	vsub.s32 v3, v4  }
0x109: {  	v2 =	vadd.s32 v3, v2  }
0x10a: {  	[tilespmem:v1+s23+$0x0 ss:$0x1] =	vst.idx.msk $0xffff, v2;
	s23 =	sshra.s32 s24, $0x2;
	s24 =	sadd.s32 $0x40, s24  }
0x10b: {  	_ =	sdelay $0x2  }
0x10c: {  	s17 =	sadd.s32 $0x10, s17  }
0x10d: {  	v2 =	vld.idx.msk [tilespmem:v1+s23+$0x0 ss:$0x1], $0xffff;
	v3 =	vor.u32 s17, v0  }
0x10e: {  	v4 =	vmulhi.u32 $0x51EB851F, v3;
	_ =	sdelay $0x1  }
0x10f: {  	v4 =	vshrl.u32 v4, $0x6  }
0x110: {  	v4 =	vmul.u32 $0xC8, v4  }
0x111: {  	v2 =	vmul.u32 $0xC8, v2  }
0x112: {  	v3 =	vsub.s32 v3, v4  }
0x113: {  	v2 =	vadd.s32 v3, v2  }
0x114: {  	[tilespmem:v1+s23+$0x0 ss:$0x1] =	vst.idx.msk $0xffff, v2  }
0x115: {  	[tilespmem:s30], [sflag:$0x6] =	stream.indirect.gather [hbm4b:s1+s28], $0x80, s9, s28, $0xb8;
	[tilespmem:$0x1F0C0] =	vst v63  }
.LBB2_18:
.Ltmp11:
0x116: {  	(pc) =	sbr.rel @p0 .LBB2_27-.Ltmp11, $1  }
0x117: {  	_ =	sdelay $0x3  }
0x118: {  	_ =	swait.ge [sflag:s31], $0x4000;
	s9 =	sshll.u32 s26, $0x7  }
0x119: {  	[sflag:s31] =	ssyncset.done $0x0;
	s9 =	sand.u32 $0x3FFFFF80, s9  }
0x11a: {  	[sflag:s31] =	ssyncadd.s32 $0xFFFFC000;
	s9 =	sadd.s32 $0x6400, s9  }
0x11b: {  	[tilespmem:s29], [sflag:$0x9] =	stream.indirect.gather.add.f32 [spmem:s5], $0x80, s9, s28, $0xb8;
	[tilespmem:$0x1F0C0] =	vst v63  }
0x11c: {  	s9 =	sor.u32 $0x3, s15  }
0x11d: {  	p0 =	sgt.u32 s9, $0xC8  }
.Ltmp12:
0x11e: {  	_ = 	snop;
	(pc) =	sbr.rel @p0 .LBB2_21-.Ltmp12, $1  }
0x11f: {  	_ =	sdelay $0x3  }
.Ltmp13:
0x120: {  	s15 =	sshll.u32 s26, $0xE;
	(pc) =	sbr.rel .LBB2_22-.Ltmp13, $4  }
0x121: {  	_ =	swait.ge [sflag:s2], $0x4000;
	s15 =	sadd.s32 s13, s15  }
0x122: {  	[sflag:s2] =	ssyncset.done $0x0;
	s15 =	sshrl.u32 s15, $0x3  }
0x123: {  	[sflag:s2] =	ssyncadd.s32 $0xFFFFC000;
	s15 =	sadd.s32 s4, s15  }
0x124: {  	[hbm4b:s15+s6] =	stream.linear.scatter [tilespmem:s29], [sflag:$0xD], $0x4000, $0x38;
	[tilespmem:$0x1F0C0] =	vst v63  }
.LBB2_21:
0x125: {  	p0 =	sgt.u32 s9, $0xCA  }
.Ltmp14:
0x126: {  	_ = 	snop;
	(pc) =	sbr.rel @p0 .LBB2_26-.Ltmp14, $1  }
0x127: {  	_ =	sdelay $0x3  }
.LBB2_22:
0x128: {  	p0 =	sgt.u32 s9, $0xC6  }
.Ltmp15:
0x129: {  	_ = 	snop;
	(pc) =	sbr.rel @p0 .LBB2_26-.Ltmp15, $4  }
0x12a: {  	_ = 	snop  }
0x12b: {  	_ =	swait.ge [sflag:s0], $0x4000  }
0x12c: {  	[sflag:s0] =	ssyncset.done $0x0  }
0x12d: {  	[sflag:s0] =	ssyncadd.s32 $0xFFFFC000  }
0x12e: {  	v1 =	vmov s14;
	_ =	sdelay $0x3  }
0x12f: {  	s17 =	simm.s32 $0x0  }
0x130: {  	v3 =	vor.u32 s20, v0;
	v2 =	vld.idx.msk [tilespmem:v1+s17+$0x0 ss:$0x1], $0xffff  }
0x131: {  	v4 =	vmulhi.u32 $0x51EB851F, v3;
	_ =	sdelay $0x1  }
0x132: {  	v4 =	vshrl.u32 v4, $0x6  }
0x133: {  	v4 =	vmul.u32 $0xC8, v4  }
0x134: {  	v2 =	vmul.u32 $0xC8, v2  }
0x135: {  	v3 =	vsub.s32 v3, v4  }
0x136: {  	s15 =	sshll.u32 s7, $0x9;
	s23 =	simm.s32 $0x10;
	v2 =	vadd.s32 v3, v2  }
0x137: {  	s24 =	simm.s32 $0x80;
	s15 =	sadd.s32 $0x200, s15;
	[tilespmem:v1+s17+$0x0 ss:$0x1] =	vst.idx.msk $0xffff, v2;
	s17 =	smov.u32 s20  }
.LBB2_24:
0x138: {  	p0 =	sne.s32 s24, $0x1C0;
	v2 =	vld.idx.msk [tilespmem:v1+s23+$0x0 ss:$0x1], $0xffff;
	s17 =	sadd.s32 $0x10, s17  }
0x139: {  	v3 =	vor.u32 s17, v0  }
0x13a: {  	v4 =	vmulhi.u32 $0x51EB851F, v3;
	_ =	sdelay $0x1  }
0x13b: {  	v4 =	vshrl.u32 v4, $0x6  }
.Ltmp16:
0x13c: {  	v4 =	vmul.u32 $0xC8, v4;
	(pc) =	sbr.rel @p0 .LBB2_24-.Ltmp16, $4  }
0x13d: {  	v2 =	vmul.u32 $0xC8, v2  }
0x13e: {  	v3 =	vsub.s32 v3, v4  }
0x13f: {  	v2 =	vadd.s32 v3, v2  }
0x140: {  	[tilespmem:v1+s23+$0x0 ss:$0x1] =	vst.idx.msk $0xffff, v2;
	s23 =	sshra.s32 s24, $0x2;
	s24 =	sadd.s32 $0x40, s24  }
0x141: {  	_ =	sdelay $0x2  }
0x142: {  	s17 =	sadd.s32 $0x10, s17  }
0x143: {  	v2 =	vld.idx.msk [tilespmem:v1+s23+$0x0 ss:$0x1], $0xffff;
	v3 =	vor.u32 s17, v0  }
0x144: {  	v4 =	vmulhi.u32 $0x51EB851F, v3;
	_ =	sdelay $0x1  }
0x145: {  	v4 =	vshrl.u32 v4, $0x6  }
0x146: {  	v4 =	vmul.u32 $0xC8, v4  }
.Ltmp17:
0x147: {  	v2 =	vmul.u32 $0xC8, v2;
	(pc) =	sbr.rel .LBB2_26-.Ltmp17, $4  }
0x148: {  	v3 =	vsub.s32 v3, v4  }
0x149: {  	v2 =	vadd.s32 v3, v2  }
0x14a: {  	[tilespmem:v1+s23+$0x0 ss:$0x1] =	vst.idx.msk $0xffff, v2  }
0x14b: {  	[tilespmem:s25], [sflag:$0x3] =	stream.indirect.gather [hbm4b:s1+s28], $0x80, s15, s28, $0xb8;
	[tilespmem:$0x1F0C0] =	vst v63  }
.LBB2_28:
0x14c: {  	_ =	sfence.sel $0x180000  }
0x14d: {  	[bflag:$0x0] =	sbarrier.arrive $0xFFFF  }
0x14e: {  	_ =	strace $0x90000047  }
0x14f: {  	s0 =	stileid.u32;
	[bflag:$0x2] =	sbarrier.arrive $0xFFFF  }
0x150: {  	p0 =	sne.s32 s0, $0x0;
	s0 =	rddreg [dreg:$0x6]  }
0x151: {  	s0 =	sadd.s32 @!p0 $0x100000, s0  }
0x152: {  	[sflag:s0] =	ssyncadd.tile.s32 @!p0 $0x1;
	_ =	shalt  }
.Lfunc_end2:
_tile_overlayer_lowered:
.L_overlay_start_2:
0x153: {  	(tag) =	ssettag $0x2  }
0x154: {  	s0 =	rddreg [dreg:$0x0];
	s2 =	stileid.u32  }
0x155: {  	s1 =	rddreg [dreg:$0x1];
	p0 =	sne.s32 s2, $0x0  }
0x156: {  	s3 =	rddreg [dreg:$0x2];
	[bflag:$0x3] =	sbarrier.arrive $0xFFFF;
	s2 =	simm.s32 @!p0 $0x1C0F  }
0x157: {  	[timem:s3], [sflag:s2] =	dma.local @!p0 [hbm:s0], s1  }
0x158: {  	s0 =	simm.s32 @!p0 $0xF  }
0x159: {  	_ =	swait.ge @!p0 [sflag:s0], s1  }
0x15a: {  	s1 =	ssub.s32 @!p0 $0x0, s1;
	[sflag:s0] =	ssyncset.done @!p0 $0x0  }
0x15b: {  	[sflag:s0] =	ssyncadd.s32 @!p0 s1  }
0x15c: {  	[bflag:$0x3] =	sbarrier.arrive $0xFFFF  }
0x15d: {  	_ =	shalt  }

</sc_bundles>
